<compile_context>
chip_gen: v7x
topology: tpu7x:2x2x1
jax: 0.10.2.dev20260603
libtpu: 0.0.44.dev20260713+nightly
codegen_flags: <defaults>
</compile_context>

<pallas_src>
import functools

import jax
import jax.numpy as jnp
from jax import lax
from jax.experimental import pallas as pl
from jax.experimental.pallas import tpu as pltpu
from jax.experimental.pallas import tpu_sc as plsc

VOCAB = 100000
HID = 768
MAXPOS = 4096
PAD = 1
EPS = 1e-12
B = 4
S = 2048

NC = 2
NS = 16
L = 16
NW = NC * NS
N = B * S
TPW = N // NW
CH = 32
NCHUNK = TPW // CH
NJ = HID // L


def _rsqrt(x):
    i = plsc.bitcast(x, jnp.int32)
    i = jnp.int32(0x5F3759DF) - (i >> 1)
    y = plsc.bitcast(i, jnp.float32)
    for _ in range(3):
        y = y * (1.5 - 0.5 * x * y * y)
    return y


def _body(ids_hbm, word_hbm, pos_hbm, gamma_hbm, beta_hbm, out_hbm,
          ids_v, pidx_v, pf_v, wbuf, pbuf, gbuf, bbuf, semw, semp):
    wid = lax.axis_index("c") * NS + lax.axis_index("s")
    tok_base = wid * TPW
    row_start = (tok_base // S) * S
    npre = (tok_base - row_start) // TPW

    pltpu.sync_copy(ids_hbm.at[pl.ds(tok_base, TPW)], ids_v)

    def pf_body(k, acc):
        pltpu.sync_copy(ids_hbm.at[pl.ds(row_start + k * TPW, TPW)], pf_v)
        for i in range(TPW // L):
            v = pf_v[pl.ds(i * L, L)]
            acc = acc + jnp.where(v != PAD, 1, 0).astype(jnp.int32)
        return acc
    accv = lax.fori_loop(0, npre, pf_body, jnp.zeros((L,), jnp.int32))
    cnt = jnp.sum(accv)

    for i in range(TPW // L):
        v = ids_v[pl.ds(i * L, L)]
        m = jnp.where(v != PAD, 1, 0).astype(jnp.int32)
        s = plsc.cumsum(m)
        pidx_v[pl.ds(i * L, L)] = (s + cnt) * m + PAD
        cnt = cnt + jnp.sum(m)

    pltpu.sync_copy(gamma_hbm, gbuf)
    pltpu.sync_copy(beta_hbm, bbuf)

    rows0 = lax.iota(jnp.int32, L)
    rows1 = rows0 + L
    inv = jnp.float32(1.0 / HID)

    def chunk_body(c, _):
        cw = pltpu.async_copy(word_hbm.at[ids_v.at[pl.ds(c * CH, CH)]],
                              wbuf, semw)
        cp = pltpu.async_copy(pos_hbm.at[pidx_v.at[pl.ds(c * CH, CH)]],
                              pbuf, semp)
        cw.wait()
        cp.wait()

        def p1(j, carry):
            s0, q0, s1, q1 = carry
            jv = jnp.broadcast_to(j, (L,)).astype(jnp.int32)
            w0 = plsc.load_gather(wbuf, [rows0, jv])
            p0 = plsc.load_gather(pbuf, [rows0, jv])
            e0 = w0 + p0
            plsc.store_scatter(wbuf, [rows0, jv], e0)
            w1 = plsc.load_gather(wbuf, [rows1, jv])
            p1v = plsc.load_gather(pbuf, [rows1, jv])
            e1 = w1 + p1v
            plsc.store_scatter(wbuf, [rows1, jv], e1)
            return (s0 + e0, q0 + e0 * e0, s1 + e1, q1 + e1 * e1)

        z = jnp.zeros((L,), jnp.float32)
        s0, q0, s1, q1 = lax.fori_loop(0, HID, p1, (z, z, z, z))

        mu0 = s0 * inv
        mu1 = s1 * inv
        r0 = _rsqrt(q0 * inv - mu0 * mu0 + EPS)
        r1 = _rsqrt(q1 * inv - mu1 * mu1 + EPS)

        def p2(j, carry):
            jv = jnp.broadcast_to(j, (L,)).astype(jnp.int32)
            g = plsc.load_gather(gbuf, [jv])
            b = plsc.load_gather(bbuf, [jv])
            e0 = plsc.load_gather(wbuf, [rows0, jv])
            plsc.store_scatter(pbuf, [rows0, jv], (e0 - mu0) * r0 * g + b)
            e1 = plsc.load_gather(wbuf, [rows1, jv])
            plsc.store_scatter(pbuf, [rows1, jv], (e1 - mu1) * r1 * g + b)
            return carry

        lax.fori_loop(0, HID, p2, 0)
        pltpu.sync_copy(pbuf, out_hbm.at[pl.ds(tok_base + c * CH, CH)])
        return 0

    lax.fori_loop(0, NCHUNK, chunk_body, 0)


@jax.jit
def _run(ids_flat, word_table, pos_table, gamma, beta):
    mesh = plsc.VectorSubcoreMesh(core_axis_name="c", subcore_axis_name="s",
                                  num_cores=NC, num_subcores=NS)
    kern = pl.kernel(
        _body,
        out_type=jax.ShapeDtypeStruct((N, HID), jnp.float32),
        mesh=mesh,
        compiler_params=pltpu.CompilerParams(needs_layout_passes=False),
        scratch_types=[
            pltpu.VMEM((TPW,), jnp.int32),
            pltpu.VMEM((TPW,), jnp.int32),
            pltpu.VMEM((TPW,), jnp.int32),
            pltpu.VMEM((CH, HID), jnp.float32),
            pltpu.VMEM((CH, HID), jnp.float32),
            pltpu.VMEM((HID,), jnp.float32),
            pltpu.VMEM((HID,), jnp.float32),
            pltpu.SemaphoreType.DMA,
            pltpu.SemaphoreType.DMA,
        ],
    )
    return kern(ids_flat, word_table, pos_table, gamma, beta)


def kernel(input_ids, word_table, pos_table, gamma, beta):
    ids_flat = input_ids.reshape(-1).astype(jnp.int32)
    out = _run(ids_flat, word_table, pos_table, gamma, beta)
    return out.reshape(B, S, HID)

# --- scband reference (transcript-rebuilt; emitter-appended) ---
"""Pipeline reference for scband-tulrv6-embeddings-30932354466058 (READ-ONLY COPY).

The authoritative reference and input builder live on the scoring server;
editing this copy changes nothing except your own understanding.
"""

import jax, jax.numpy as jnp
import numpy as np

VOCAB = 100000
HID = 768
MAXPOS = 4096
PAD = 1
EPS = 1e-12
B = 4
S = 2048


def setup_inputs(seed: int = 0) -> dict:
    key = jax.random.key(seed)
    k1, k2, k3 = jax.random.split(key, 3)
    input_ids = jax.random.randint(k1, (B, S), 0, VOCAB)
    word_table = jax.random.normal(k2, (VOCAB, HID), dtype=jnp.float32) * 0.02
    word_table = word_table.at[PAD].set(0.0)  # nn.Embedding padding_idx row is zero
    pos_table = jax.random.normal(k3, (MAXPOS, HID), dtype=jnp.float32) * 0.02
    pos_table = pos_table.at[PAD].set(0.0)
    gamma = jnp.ones((HID,), dtype=jnp.float32)
    beta = jnp.zeros((HID,), dtype=jnp.float32)
    return {"input_ids": input_ids, "word_table": word_table, "pos_table": pos_table, "gamma": gamma, "beta": beta}


def reference(input_ids, word_table, pos_table, gamma, beta):
    # create_position_ids_from_input_ids: positions start at padding_idx+1, pads stay at padding_idx
    mask = (input_ids != PAD).astype(jnp.int32)
    incremental = jnp.cumsum(mask, axis=1).astype(jnp.int32) * mask
    position_ids = incremental.astype(jnp.int64) + PAD
    inputs_embeds = jnp.take(word_table, input_ids, axis=0)
    position_embeddings = jnp.take(pos_table, position_ids, axis=0)
    embeddings = inputs_embeds + position_embeddings
    # LayerNorm over last dim (eval mode, dropout is identity)
    mu = jnp.mean(embeddings, axis=-1, keepdims=True)
    var = jnp.mean((embeddings - mu) ** 2, axis=-1, keepdims=True)
    normed = (embeddings - mu) / jnp.sqrt(var + EPS)
    return normed * gamma + beta

if __name__ == "__main__":
    import jax
    _d = setup_inputs()
    print(jax.jit(kernel)(*tuple(_d.values())))

</pallas_src>

<mosaic_0001>
#map = affine_map<(d0, d1) -> (0)>
#map1 = affine_map<(d0, d1) -> (0, 0)>
module attributes {stable_mosaic.version = 14 : i64} {
  func.func @_body(%arg0: i32, %arg1: i32, %arg2: memref<8192xi32, #tpu.memory_space<hbm>>, %arg3: memref<100000x768xf32, #tpu.memory_space<hbm>>, %arg4: memref<4096x768xf32, #tpu.memory_space<hbm>>, %arg5: memref<768xf32, #tpu.memory_space<hbm>>, %arg6: memref<768xf32, #tpu.memory_space<hbm>>, %arg7: memref<8192x768xf32, #tpu.memory_space<hbm>>, %arg8: memref<256xi32, #tpu.memory_space<vmem>>, %arg9: memref<256xi32, #tpu.memory_space<vmem>>, %arg10: memref<256xi32, #tpu.memory_space<vmem>>, %arg11: memref<32x768xf32, #tpu.memory_space<vmem>>, %arg12: memref<32x768xf32, #tpu.memory_space<vmem>>, %arg13: memref<768xf32, #tpu.memory_space<vmem>>, %arg14: memref<768xf32, #tpu.memory_space<vmem>>, %arg15: memref<!tpu.dma_semaphore, #tpu.memory_space<semaphore_mem>>, %arg16: memref<!tpu.dma_semaphore, #tpu.memory_space<semaphore_mem>>) attributes {dimension_semantics = [#tpu.dimension_semantics<core_parallel>, #tpu.dimension_semantics<subcore_parallel>], iteration_bounds = array<i64: 2, 16>, scalar_prefetch = 0 : i64, scratch_operands = 9 : i64, tpu.core_type = #tpu.core_type<sc_vector_subcore>, window_params = [{transform_indices = #map}, {transform_indices = #map1}, {transform_indices = #map1}, {transform_indices = #map}, {transform_indices = #map}, {transform_indices = #map1}]} {
    %mul3A = arith.constant 16 : i32
    %mul3A_0 = arith.muli %arg0, %mul3A : i32
    %add3A = arith.addi %mul3A_0, %arg1 : i32
    %mul3A_1 = arith.constant 256 : i32
    %mul3A_2 = arith.muli %add3A, %mul3A_1 : i32
    %jit3A = arith.constant 2048 : i32
    %div3A = arith.divsi %mul3A_2, %jit3A : i32
    %sign3A = arith.constant 0 : i32
    %sign3A_3 = arith.cmpi sgt, %mul3A_2, %sign3A : i32
    %sign3A_4 = arith.extui %sign3A_3 : i1 to i32
    %sign3A_5 = arith.constant 0 : i32
    %sign3A_6 = arith.cmpi slt, %mul3A_2, %sign3A_5 : i32
    %sign3A_7 = arith.extui %sign3A_6 : i1 to i32
    %sign3A_8 = arith.subi %sign3A_4, %sign3A_7 : i32
    %sign3A_9 = arith.constant 0 : i32
    %sign3A_10 = arith.cmpi sgt, %jit3A, %sign3A_9 : i32
    %sign3A_11 = arith.extui %sign3A_10 : i1 to i32
    %sign3A_12 = arith.constant 0 : i32
    %sign3A_13 = arith.cmpi slt, %jit3A, %sign3A_12 : i32
    %sign3A_14 = arith.extui %sign3A_13 : i1 to i32
    %sign3A_15 = arith.subi %sign3A_11, %sign3A_14 : i32
    %ne3A = arith.cmpi ne, %sign3A_8, %sign3A_15 : i32
    %rem3A = arith.remsi %mul3A_2, %jit3A : i32
    %ne3A_16 = arith.constant 0 : i32
    %ne3A_17 = arith.cmpi ne, %rem3A, %ne3A_16 : i32
    %and3A = arith.andi %ne3A, %ne3A_17 : i1
    %sub3A = arith.constant 1 : i32
    %sub3A_18 = arith.subi %div3A, %sub3A : i32
    %select_n3A = arith.select %and3A, %sub3A_18, %div3A : i32
    %mul3A_19 = arith.constant 2048 : i32
    %mul3A_20 = arith.muli %select_n3A, %mul3A_19 : i32
    %sub3A_21 = arith.subi %mul3A_2, %mul3A_20 : i32
    %jit3A_22 = arith.constant 256 : i32
    %div3A_23 = arith.divsi %sub3A_21, %jit3A_22 : i32
    %sign3A_24 = arith.constant 0 : i32
    %sign3A_25 = arith.cmpi sgt, %sub3A_21, %sign3A_24 : i32
    %sign3A_26 = arith.extui %sign3A_25 : i1 to i32
    %sign3A_27 = arith.constant 0 : i32
    %sign3A_28 = arith.cmpi slt, %sub3A_21, %sign3A_27 : i32
    %sign3A_29 = arith.extui %sign3A_28 : i1 to i32
    %sign3A_30 = arith.subi %sign3A_26, %sign3A_29 : i32
    %sign3A_31 = arith.constant 0 : i32
    %sign3A_32 = arith.cmpi sgt, %jit3A_22, %sign3A_31 : i32
    %sign3A_33 = arith.extui %sign3A_32 : i1 to i32
    %sign3A_34 = arith.constant 0 : i32
    %sign3A_35 = arith.cmpi slt, %jit3A_22, %sign3A_34 : i32
    %sign3A_36 = arith.extui %sign3A_35 : i1 to i32
    %sign3A_37 = arith.subi %sign3A_33, %sign3A_36 : i32
    %ne3A_38 = arith.cmpi ne, %sign3A_30, %sign3A_37 : i32
    %rem3A_39 = arith.remsi %sub3A_21, %jit3A_22 : i32
    %ne3A_40 = arith.constant 0 : i32
    %ne3A_41 = arith.cmpi ne, %rem3A_39, %ne3A_40 : i32
    %and3A_42 = arith.andi %ne3A_38, %ne3A_41 : i1
    %sub3A_43 = arith.constant 1 : i32
    %sub3A_44 = arith.subi %div3A_23, %sub3A_43 : i32
    %select_n3A_45 = arith.select %and3A_42, %sub3A_44, %div3A_23 : i32
    "tpu.region"() ({
      %run_scoped3A = tpu.sem_alloc : memref<!tpu.dma_semaphore, #tpu.memory_space<semaphore_mem>>
      %dma_start3A = tpu.memref_slice %arg2[%mul3A_2] : memref<8192xi32, #tpu.memory_space<hbm>> -> memref<256xi32, #tpu.memory_space<hbm>>
      %dma_start3A_483 = tpu.memref_slice %arg2[%mul3A_2] : memref<8192xi32, #tpu.memory_space<hbm>> -> memref<256xi32, #tpu.memory_space<hbm>>
      tpu.enqueue_dma source(%dma_start3A_483 : memref<256xi32, #tpu.memory_space<hbm>>) target(%arg8 : memref<256xi32, #tpu.memory_space<vmem>>) target_semaphore(%run_scoped3A : memref<!tpu.dma_semaphore, #tpu.memory_space<semaphore_mem>>)
      %dma_wait3A = tpu.memref_slice %arg2[%mul3A_2] : memref<8192xi32, #tpu.memory_space<hbm>> -> memref<256xi32, #tpu.memory_space<hbm>>
      %dma_wait3A_484 = tpu.memref_slice %arg2[%mul3A_2] : memref<8192xi32, #tpu.memory_space<hbm>> -> memref<256xi32, #tpu.memory_space<hbm>>
      tpu.wait_dma2 semaphore(%run_scoped3A : memref<!tpu.dma_semaphore, #tpu.memory_space<semaphore_mem>>) src(%dma_wait3A_484 : memref<256xi32, #tpu.memory_space<hbm>>) dst(%arg8 : memref<256xi32, #tpu.memory_space<vmem>>)
      tpu.yield
    }) : () -> ()
    %broadcast_in_dim3A = arith.constant 0 : i32
    %broadcast_in_dim3A_46 = vector.broadcast %broadcast_in_dim3A : i32 to vector<16xi32>
    %while3A = arith.constant 0 : i32
    %while3A_47 = arith.subi %select_n3A_45, %while3A : i32
    %while3A_48 = arith.addi %while3A, %while3A_47 : i32
    %while3A_49 = arith.constant 1 : i32
    %while3A_50 = arith.divsi %while3A_47, %while3A_49 : i32
    %while3A_51 = arith.muli %while3A_50, %while3A_49 : i32
    %while3A_52 = arith.addi %while3A, %while3A_51 : i32
    %while3A_53 = arith.constant 1 : i32
    %while3A_54 = scf.for %while3A_483 = %while3A to %while3A_52 step %while3A_53 iter_args(%while3A_484 = %broadcast_in_dim3A_46) -> (vector<16xi32>)  : i32 {
      %mul3A_485 = arith.constant 256 : i32
      %mul3A_486 = arith.muli %while3A_483, %mul3A_485 : i32
      %add3A_487 = arith.addi %mul3A_20, %mul3A_486 : i32
      "tpu.region"() ({
        %run_scoped3A = tpu.sem_alloc : memref<!tpu.dma_semaphore, #tpu.memory_space<semaphore_mem>>
        %dma_start3A = tpu.memref_slice %arg2[%add3A_487] : memref<8192xi32, #tpu.memory_space<hbm>> -> memref<256xi32, #tpu.memory_space<hbm>>
        %dma_start3A_664 = tpu.memref_slice %arg2[%add3A_487] : memref<8192xi32, #tpu.memory_space<hbm>> -> memref<256xi32, #tpu.memory_space<hbm>>
        tpu.enqueue_dma source(%dma_start3A_664 : memref<256xi32, #tpu.memory_space<hbm>>) target(%arg10 : memref<256xi32, #tpu.memory_space<vmem>>) target_semaphore(%run_scoped3A : memref<!tpu.dma_semaphore, #tpu.memory_space<semaphore_mem>>)
        %dma_wait3A = tpu.memref_slice %arg2[%add3A_487] : memref<8192xi32, #tpu.memory_space<hbm>> -> memref<256xi32, #tpu.memory_space<hbm>>
        %dma_wait3A_665 = tpu.memref_slice %arg2[%add3A_487] : memref<8192xi32, #tpu.memory_space<hbm>> -> memref<256xi32, #tpu.memory_space<hbm>>
        tpu.wait_dma2 semaphore(%run_scoped3A : memref<!tpu.dma_semaphore, #tpu.memory_space<semaphore_mem>>) src(%dma_wait3A_665 : memref<256xi32, #tpu.memory_space<hbm>>) dst(%arg10 : memref<256xi32, #tpu.memory_space<vmem>>)
        tpu.yield
      }) : () -> ()
      %get3A_488 = arith.constant 0 : index
      %get3A_489 = tpu.vector_load %arg10[%get3A_488] {strides = array<i32>} : memref<256xi32, #tpu.memory_space<vmem>>, vector<16xi32>,
      %ne3A_490 = arith.constant 1 : i32
      %ne3A_491 = vector.broadcast %ne3A_490 : i32 to vector<16xi32>
      %ne3A_492 = arith.cmpi ne, %get3A_489, %ne3A_491 : vector<16xi32>
      %jit3A_493 = arith.constant 1 : i32
      %jit3A_494 = arith.constant 0 : i32
      %broadcast_in_dim3A_495 = vector.broadcast %jit3A_493 : i32 to vector<16xi32>
      %broadcast_in_dim3A_496 = vector.broadcast %jit3A_494 : i32 to vector<16xi32>
      %select_n3A_497 = arith.select %ne3A_492, %broadcast_in_dim3A_495, %broadcast_in_dim3A_496 : vector<16xi1>, vector<16xi32>
      %add3A_498 = arith.addi %while3A_484, %select_n3A_497 : vector<16xi32>
      %get3A_499 = arith.constant 16 : index
      %get3A_500 = tpu.vector_load %arg10[%get3A_499] {strides = array<i32>} : memref<256xi32, #tpu.memory_space<vmem>>, vector<16xi32>,
      %ne3A_501 = arith.constant 1 : i32
      %ne3A_502 = vector.broadcast %ne3A_501 : i32 to vector<16xi32>
      %ne3A_503 = arith.cmpi ne, %get3A_500, %ne3A_502 : vector<16xi32>
      %jit3A_504 = arith.constant 1 : i32
      %jit3A_505 = arith.constant 0 : i32
      %broadcast_in_dim3A_506 = vector.broadcast %jit3A_504 : i32 to vector<16xi32>
      %broadcast_in_dim3A_507 = vector.broadcast %jit3A_505 : i32 to vector<16xi32>
      %select_n3A_508 = arith.select %ne3A_503, %broadcast_in_dim3A_506, %broadcast_in_dim3A_507 : vector<16xi1>, vector<16xi32>
      %add3A_509 = arith.addi %add3A_498, %select_n3A_508 : vector<16xi32>
      %get3A_510 = arith.constant 32 : index
      %get3A_511 = tpu.vector_load %arg10[%get3A_510] {strides = array<i32>} : memref<256xi32, #tpu.memory_space<vmem>>, vector<16xi32>,
      %ne3A_512 = arith.constant 1 : i32
      %ne3A_513 = vector.broadcast %ne3A_512 : i32 to vector<16xi32>
      %ne3A_514 = arith.cmpi ne, %get3A_511, %ne3A_513 : vector<16xi32>
      %jit3A_515 = arith.constant 1 : i32
      %jit3A_516 = arith.constant 0 : i32
      %broadcast_in_dim3A_517 = vector.broadcast %jit3A_515 : i32 to vector<16xi32>
      %broadcast_in_dim3A_518 = vector.broadcast %jit3A_516 : i32 to vector<16xi32>
      %select_n3A_519 = arith.select %ne3A_514, %broadcast_in_dim3A_517, %broadcast_in_dim3A_518 : vector<16xi1>, vector<16xi32>
      %add3A_520 = arith.addi %add3A_509, %select_n3A_519 : vector<16xi32>
      %get3A_521 = arith.constant 48 : index
      %get3A_522 = tpu.vector_load %arg10[%get3A_521] {strides = array<i32>} : memref<256xi32, #tpu.memory_space<vmem>>, vector<16xi32>,
      %ne3A_523 = arith.constant 1 : i32
      %ne3A_524 = vector.broadcast %ne3A_523 : i32 to vector<16xi32>
      %ne3A_525 = arith.cmpi ne, %get3A_522, %ne3A_524 : vector<16xi32>
      %jit3A_526 = arith.constant 1 : i32
      %jit3A_527 = arith.constant 0 : i32
      %broadcast_in_dim3A_528 = vector.broadcast %jit3A_526 : i32 to vector<16xi32>
      %broadcast_in_dim3A_529 = vector.broadcast %jit3A_527 : i32 to vector<16xi32>
      %select_n3A_530 = arith.select %ne3A_525, %broadcast_in_dim3A_528, %broadcast_in_dim3A_529 : vector<16xi1>, vector<16xi32>
      %add3A_531 = arith.addi %add3A_520, %select_n3A_530 : vector<16xi32>
      %get3A_532 = arith.constant 64 : index
      %get3A_533 = tpu.vector_load %arg10[%get3A_532] {strides = array<i32>} : memref<256xi32, #tpu.memory_space<vmem>>, vector<16xi32>,
      %ne3A_534 = arith.constant 1 : i32
      %ne3A_535 = vector.broadcast %ne3A_534 : i32 to vector<16xi32>
      %ne3A_536 = arith.cmpi ne, %get3A_533, %ne3A_535 : vector<16xi32>
      %jit3A_537 = arith.constant 1 : i32
      %jit3A_538 = arith.constant 0 : i32
      %broadcast_in_dim3A_539 = vector.broadcast %jit3A_537 : i32 to vector<16xi32>
      %broadcast_in_dim3A_540 = vector.broadcast %jit3A_538 : i32 to vector<16xi32>
      %select_n3A_541 = arith.select %ne3A_536, %broadcast_in_dim3A_539, %broadcast_in_dim3A_540 : vector<16xi1>, vector<16xi32>
      %add3A_542 = arith.addi %add3A_531, %select_n3A_541 : vector<16xi32>
      %get3A_543 = arith.constant 80 : index
      %get3A_544 = tpu.vector_load %arg10[%get3A_543] {strides = array<i32>} : memref<256xi32, #tpu.memory_space<vmem>>, vector<16xi32>,
      %ne3A_545 = arith.constant 1 : i32
      %ne3A_546 = vector.broadcast %ne3A_545 : i32 to vector<16xi32>
      %ne3A_547 = arith.cmpi ne, %get3A_544, %ne3A_546 : vector<16xi32>
      %jit3A_548 = arith.constant 1 : i32
      %jit3A_549 = arith.constant 0 : i32
      %broadcast_in_dim3A_550 = vector.broadcast %jit3A_548 : i32 to vector<16xi32>
      %broadcast_in_dim3A_551 = vector.broadcast %jit3A_549 : i32 to vector<16xi32>
      %select_n3A_552 = arith.select %ne3A_547, %broadcast_in_dim3A_550, %broadcast_in_dim3A_551 : vector<16xi1>, vector<16xi32>
      %add3A_553 = arith.addi %add3A_542, %select_n3A_552 : vector<16xi32>
      %get3A_554 = arith.constant 96 : index
      %get3A_555 = tpu.vector_load %arg10[%get3A_554] {strides = array<i32>} : memref<256xi32, #tpu.memory_space<vmem>>, vector<16xi32>,
      %ne3A_556 = arith.constant 1 : i32
      %ne3A_557 = vector.broadcast %ne3A_556 : i32 to vector<16xi32>
      %ne3A_558 = arith.cmpi ne, %get3A_555, %ne3A_557 : vector<16xi32>
      %jit3A_559 = arith.constant 1 : i32
      %jit3A_560 = arith.constant 0 : i32
      %broadcast_in_dim3A_561 = vector.broadcast %jit3A_559 : i32 to vector<16xi32>
      %broadcast_in_dim3A_562 = vector.broadcast %jit3A_560 : i32 to vector<16xi32>
      %select_n3A_563 = arith.select %ne3A_558, %broadcast_in_dim3A_561, %broadcast_in_dim3A_562 : vector<16xi1>, vector<16xi32>
      %add3A_564 = arith.addi %add3A_553, %select_n3A_563 : vector<16xi32>
      %get3A_565 = arith.constant 112 : index
      %get3A_566 = tpu.vector_load %arg10[%get3A_565] {strides = array<i32>} : memref<256xi32, #tpu.memory_space<vmem>>, vector<16xi32>,
      %ne3A_567 = arith.constant 1 : i32
      %ne3A_568 = vector.broadcast %ne3A_567 : i32 to vector<16xi32>
      %ne3A_569 = arith.cmpi ne, %get3A_566, %ne3A_568 : vector<16xi32>
      %jit3A_570 = arith.constant 1 : i32
      %jit3A_571 = arith.constant 0 : i32
      %broadcast_in_dim3A_572 = vector.broadcast %jit3A_570 : i32 to vector<16xi32>
      %broadcast_in_dim3A_573 = vector.broadcast %jit3A_571 : i32 to vector<16xi32>
      %select_n3A_574 = arith.select %ne3A_569, %broadcast_in_dim3A_572, %broadcast_in_dim3A_573 : vector<16xi1>, vector<16xi32>
      %add3A_575 = arith.addi %add3A_564, %select_n3A_574 : vector<16xi32>
      %get3A_576 = arith.constant 128 : index
      %get3A_577 = tpu.vector_load %arg10[%get3A_576] {strides = array<i32>} : memref<256xi32, #tpu.memory_space<vmem>>, vector<16xi32>,
      %ne3A_578 = arith.constant 1 : i32
      %ne3A_579 = vector.broadcast %ne3A_578 : i32 to vector<16xi32>
      %ne3A_580 = arith.cmpi ne, %get3A_577, %ne3A_579 : vector<16xi32>
      %jit3A_581 = arith.constant 1 : i32
      %jit3A_582 = arith.constant 0 : i32
      %broadcast_in_dim3A_583 = vector.broadcast %jit3A_581 : i32 to vector<16xi32>
      %broadcast_in_dim3A_584 = vector.broadcast %jit3A_582 : i32 to vector<16xi32>
      %select_n3A_585 = arith.select %ne3A_580, %broadcast_in_dim3A_583, %broadcast_in_dim3A_584 : vector<16xi1>, vector<16xi32>
      %add3A_586 = arith.addi %add3A_575, %select_n3A_585 : vector<16xi32>
      %get3A_587 = arith.constant 144 : index
      %get3A_588 = tpu.vector_load %arg10[%get3A_587] {strides = array<i32>} : memref<256xi32, #tpu.memory_space<vmem>>, vector<16xi32>,
      %ne3A_589 = arith.constant 1 : i32
      %ne3A_590 = vector.broadcast %ne3A_589 : i32 to vector<16xi32>
      %ne3A_591 = arith.cmpi ne, %get3A_588, %ne3A_590 : vector<16xi32>
      %jit3A_592 = arith.constant 1 : i32
      %jit3A_593 = arith.constant 0 : i32
      %broadcast_in_dim3A_594 = vector.broadcast %jit3A_592 : i32 to vector<16xi32>
      %broadcast_in_dim3A_595 = vector.broadcast %jit3A_593 : i32 to vector<16xi32>
      %select_n3A_596 = arith.select %ne3A_591, %broadcast_in_dim3A_594, %broadcast_in_dim3A_595 : vector<16xi1>, vector<16xi32>
      %add3A_597 = arith.addi %add3A_586, %select_n3A_596 : vector<16xi32>
      %get3A_598 = arith.constant 160 : index
      %get3A_599 = tpu.vector_load %arg10[%get3A_598] {strides = array<i32>} : memref<256xi32, #tpu.memory_space<vmem>>, vector<16xi32>,
      %ne3A_600 = arith.constant 1 : i32
      %ne3A_601 = vector.broadcast %ne3A_600 : i32 to vector<16xi32>
      %ne3A_602 = arith.cmpi ne, %get3A_599, %ne3A_601 : vector<16xi32>
      %jit3A_603 = arith.constant 1 : i32
      %jit3A_604 = arith.constant 0 : i32
      %broadcast_in_dim3A_605 = vector.broadcast %jit3A_603 : i32 to vector<16xi32>
      %broadcast_in_dim3A_606 = vector.broadcast %jit3A_604 : i32 to vector<16xi32>
      %select_n3A_607 = arith.select %ne3A_602, %broadcast_in_dim3A_605, %broadcast_in_dim3A_606 : vector<16xi1>, vector<16xi32>
      %add3A_608 = arith.addi %add3A_597, %select_n3A_607 : vector<16xi32>
      %get3A_609 = arith.constant 176 : index
      %get3A_610 = tpu.vector_load %arg10[%get3A_609] {strides = array<i32>} : memref<256xi32, #tpu.memory_space<vmem>>, vector<16xi32>,
      %ne3A_611 = arith.constant 1 : i32
      %ne3A_612 = vector.broadcast %ne3A_611 : i32 to vector<16xi32>
      %ne3A_613 = arith.cmpi ne, %get3A_610, %ne3A_612 : vector<16xi32>
      %jit3A_614 = arith.constant 1 : i32
      %jit3A_615 = arith.constant 0 : i32
      %broadcast_in_dim3A_616 = vector.broadcast %jit3A_614 : i32 to vector<16xi32>
      %broadcast_in_dim3A_617 = vector.broadcast %jit3A_615 : i32 to vector<16xi32>
      %select_n3A_618 = arith.select %ne3A_613, %broadcast_in_dim3A_616, %broadcast_in_dim3A_617 : vector<16xi1>, vector<16xi32>
      %add3A_619 = arith.addi %add3A_608, %select_n3A_618 : vector<16xi32>
      %get3A_620 = arith.constant 192 : index
      %get3A_621 = tpu.vector_load %arg10[%get3A_620] {strides = array<i32>} : memref<256xi32, #tpu.memory_space<vmem>>, vector<16xi32>,
      %ne3A_622 = arith.constant 1 : i32
      %ne3A_623 = vector.broadcast %ne3A_622 : i32 to vector<16xi32>
      %ne3A_624 = arith.cmpi ne, %get3A_621, %ne3A_623 : vector<16xi32>
      %jit3A_625 = arith.constant 1 : i32
      %jit3A_626 = arith.constant 0 : i32
      %broadcast_in_dim3A_627 = vector.broadcast %jit3A_625 : i32 to vector<16xi32>
      %broadcast_in_dim3A_628 = vector.broadcast %jit3A_626 : i32 to vector<16xi32>
      %select_n3A_629 = arith.select %ne3A_624, %broadcast_in_dim3A_627, %broadcast_in_dim3A_628 : vector<16xi1>, vector<16xi32>
      %add3A_630 = arith.addi %add3A_619, %select_n3A_629 : vector<16xi32>
      %get3A_631 = arith.constant 208 : index
      %get3A_632 = tpu.vector_load %arg10[%get3A_631] {strides = array<i32>} : memref<256xi32, #tpu.memory_space<vmem>>, vector<16xi32>,
      %ne3A_633 = arith.constant 1 : i32
      %ne3A_634 = vector.broadcast %ne3A_633 : i32 to vector<16xi32>
      %ne3A_635 = arith.cmpi ne, %get3A_632, %ne3A_634 : vector<16xi32>
      %jit3A_636 = arith.constant 1 : i32
      %jit3A_637 = arith.constant 0 : i32
      %broadcast_in_dim3A_638 = vector.broadcast %jit3A_636 : i32 to vector<16xi32>
      %broadcast_in_dim3A_639 = vector.broadcast %jit3A_637 : i32 to vector<16xi32>
      %select_n3A_640 = arith.select %ne3A_635, %broadcast_in_dim3A_638, %broadcast_in_dim3A_639 : vector<16xi1>, vector<16xi32>
      %add3A_641 = arith.addi %add3A_630, %select_n3A_640 : vector<16xi32>
      %get3A_642 = arith.constant 224 : index
      %get3A_643 = tpu.vector_load %arg10[%get3A_642] {strides = array<i32>} : memref<256xi32, #tpu.memory_space<vmem>>, vector<16xi32>,
      %ne3A_644 = arith.constant 1 : i32
      %ne3A_645 = vector.broadcast %ne3A_644 : i32 to vector<16xi32>
      %ne3A_646 = arith.cmpi ne, %get3A_643, %ne3A_645 : vector<16xi32>
      %jit3A_647 = arith.constant 1 : i32
      %jit3A_648 = arith.constant 0 : i32
      %broadcast_in_dim3A_649 = vector.broadcast %jit3A_647 : i32 to vector<16xi32>
      %broadcast_in_dim3A_650 = vector.broadcast %jit3A_648 : i32 to vector<16xi32>
      %select_n3A_651 = arith.select %ne3A_646, %broadcast_in_dim3A_649, %broadcast_in_dim3A_650 : vector<16xi1>, vector<16xi32>
      %add3A_652 = arith.addi %add3A_641, %select_n3A_651 : vector<16xi32>
      %get3A_653 = arith.constant 240 : index
      %get3A_654 = tpu.vector_load %arg10[%get3A_653] {strides = array<i32>} : memref<256xi32, #tpu.memory_space<vmem>>, vector<16xi32>,
      %ne3A_655 = arith.constant 1 : i32
      %ne3A_656 = vector.broadcast %ne3A_655 : i32 to vector<16xi32>
      %ne3A_657 = arith.cmpi ne, %get3A_654, %ne3A_656 : vector<16xi32>
      %jit3A_658 = arith.constant 1 : i32
      %jit3A_659 = arith.constant 0 : i32
      %broadcast_in_dim3A_660 = vector.broadcast %jit3A_658 : i32 to vector<16xi32>
      %broadcast_in_dim3A_661 = vector.broadcast %jit3A_659 : i32 to vector<16xi32>
      %select_n3A_662 = arith.select %ne3A_657, %broadcast_in_dim3A_660, %broadcast_in_dim3A_661 : vector<16xi1>, vector<16xi32>
      %add3A_663 = arith.addi %add3A_652, %select_n3A_662 : vector<16xi32>
      scf.yield %add3A_663 : vector<16xi32>
    }
    %while3A_55 = arith.constant 1 : i32
    %while3A_56 = scf.for %while3A_483 = %while3A_52 to %while3A_48 step %while3A_55 iter_args(%while3A_484 = %while3A_54) -> (vector<16xi32>)  : i32 {
      %mul3A_485 = arith.constant 256 : i32
      %mul3A_486 = arith.muli %while3A_483, %mul3A_485 : i32
      %add3A_487 = arith.addi %mul3A_20, %mul3A_486 : i32
      "tpu.region"() ({
        %run_scoped3A = tpu.sem_alloc : memref<!tpu.dma_semaphore, #tpu.memory_space<semaphore_mem>>
        %dma_start3A = tpu.memref_slice %arg2[%add3A_487] : memref<8192xi32, #tpu.memory_space<hbm>> -> memref<256xi32, #tpu.memory_space<hbm>>
        %dma_start3A_664 = tpu.memref_slice %arg2[%add3A_487] : memref<8192xi32, #tpu.memory_space<hbm>> -> memref<256xi32, #tpu.memory_space<hbm>>
        tpu.enqueue_dma source(%dma_start3A_664 : memref<256xi32, #tpu.memory_space<hbm>>) target(%arg10 : memref<256xi32, #tpu.memory_space<vmem>>) target_semaphore(%run_scoped3A : memref<!tpu.dma_semaphore, #tpu.memory_space<semaphore_mem>>)
        %dma_wait3A = tpu.memref_slice %arg2[%add3A_487] : memref<8192xi32, #tpu.memory_space<hbm>> -> memref<256xi32, #tpu.memory_space<hbm>>
        %dma_wait3A_665 = tpu.memref_slice %arg2[%add3A_487] : memref<8192xi32, #tpu.memory_space<hbm>> -> memref<256xi32, #tpu.memory_space<hbm>>
        tpu.wait_dma2 semaphore(%run_scoped3A : memref<!tpu.dma_semaphore, #tpu.memory_space<semaphore_mem>>) src(%dma_wait3A_665 : memref<256xi32, #tpu.memory_space<hbm>>) dst(%arg10 : memref<256xi32, #tpu.memory_space<vmem>>)
        tpu.yield
      }) : () -> ()
      %get3A_488 = arith.constant 0 : index
      %get3A_489 = tpu.vector_load %arg10[%get3A_488] {strides = array<i32>} : memref<256xi32, #tpu.memory_space<vmem>>, vector<16xi32>,
      %ne3A_490 = arith.constant 1 : i32
      %ne3A_491 = vector.broadcast %ne3A_490 : i32 to vector<16xi32>
      %ne3A_492 = arith.cmpi ne, %get3A_489, %ne3A_491 : vector<16xi32>
      %jit3A_493 = arith.constant 1 : i32
      %jit3A_494 = arith.constant 0 : i32
      %broadcast_in_dim3A_495 = vector.broadcast %jit3A_493 : i32 to vector<16xi32>
      %broadcast_in_dim3A_496 = vector.broadcast %jit3A_494 : i32 to vector<16xi32>
      %select_n3A_497 = arith.select %ne3A_492, %broadcast_in_dim3A_495, %broadcast_in_dim3A_496 : vector<16xi1>, vector<16xi32>
      %add3A_498 = arith.addi %while3A_484, %select_n3A_497 : vector<16xi32>
      %get3A_499 = arith.constant 16 : index
      %get3A_500 = tpu.vector_load %arg10[%get3A_499] {strides = array<i32>} : memref<256xi32, #tpu.memory_space<vmem>>, vector<16xi32>,
      %ne3A_501 = arith.constant 1 : i32
      %ne3A_502 = vector.broadcast %ne3A_501 : i32 to vector<16xi32>
      %ne3A_503 = arith.cmpi ne, %get3A_500, %ne3A_502 : vector<16xi32>
      %jit3A_504 = arith.constant 1 : i32
      %jit3A_505 = arith.constant 0 : i32
      %broadcast_in_dim3A_506 = vector.broadcast %jit3A_504 : i32 to vector<16xi32>
      %broadcast_in_dim3A_507 = vector.broadcast %jit3A_505 : i32 to vector<16xi32>
      %select_n3A_508 = arith.select %ne3A_503, %broadcast_in_dim3A_506, %broadcast_in_dim3A_507 : vector<16xi1>, vector<16xi32>
      %add3A_509 = arith.addi %add3A_498, %select_n3A_508 : vector<16xi32>
      %get3A_510 = arith.constant 32 : index
      %get3A_511 = tpu.vector_load %arg10[%get3A_510] {strides = array<i32>} : memref<256xi32, #tpu.memory_space<vmem>>, vector<16xi32>,
      %ne3A_512 = arith.constant 1 : i32
      %ne3A_513 = vector.broadcast %ne3A_512 : i32 to vector<16xi32>
      %ne3A_514 = arith.cmpi ne, %get3A_511, %ne3A_513 : vector<16xi32>
      %jit3A_515 = arith.constant 1 : i32
      %jit3A_516 = arith.constant 0 : i32
      %broadcast_in_dim3A_517 = vector.broadcast %jit3A_515 : i32 to vector<16xi32>
      %broadcast_in_dim3A_518 = vector.broadcast %jit3A_516 : i32 to vector<16xi32>
      %select_n3A_519 = arith.select %ne3A_514, %broadcast_in_dim3A_517, %broadcast_in_dim3A_518 : vector<16xi1>, vector<16xi32>
      %add3A_520 = arith.addi %add3A_509, %select_n3A_519 : vector<16xi32>
      %get3A_521 = arith.constant 48 : index
      %get3A_522 = tpu.vector_load %arg10[%get3A_521] {strides = array<i32>} : memref<256xi32, #tpu.memory_space<vmem>>, vector<16xi32>,
      %ne3A_523 = arith.constant 1 : i32
      %ne3A_524 = vector.broadcast %ne3A_523 : i32 to vector<16xi32>
      %ne3A_525 = arith.cmpi ne, %get3A_522, %ne3A_524 : vector<16xi32>
      %jit3A_526 = arith.constant 1 : i32
      %jit3A_527 = arith.constant 0 : i32
      %broadcast_in_dim3A_528 = vector.broadcast %jit3A_526 : i32 to vector<16xi32>
      %broadcast_in_dim3A_529 = vector.broadcast %jit3A_527 : i32 to vector<16xi32>
      %select_n3A_530 = arith.select %ne3A_525, %broadcast_in_dim3A_528, %broadcast_in_dim3A_529 : vector<16xi1>, vector<16xi32>
      %add3A_531 = arith.addi %add3A_520, %select_n3A_530 : vector<16xi32>
      %get3A_532 = arith.constant 64 : index
      %get3A_533 = tpu.vector_load %arg10[%get3A_532] {strides = array<i32>} : memref<256xi32, #tpu.memory_space<vmem>>, vector<16xi32>,
      %ne3A_534 = arith.constant 1 : i32
      %ne3A_535 = vector.broadcast %ne3A_534 : i32 to vector<16xi32>
      %ne3A_536 = arith.cmpi ne, %get3A_533, %ne3A_535 : vector<16xi32>
      %jit3A_537 = arith.constant 1 : i32
      %jit3A_538 = arith.constant 0 : i32
      %broadcast_in_dim3A_539 = vector.broadcast %jit3A_537 : i32 to vector<16xi32>
      %broadcast_in_dim3A_540 = vector.broadcast %jit3A_538 : i32 to vector<16xi32>
      %select_n3A_541 = arith.select %ne3A_536, %broadcast_in_dim3A_539, %broadcast_in_dim3A_540 : vector<16xi1>, vector<16xi32>
      %add3A_542 = arith.addi %add3A_531, %select_n3A_541 : vector<16xi32>
      %get3A_543 = arith.constant 80 : index
      %get3A_544 = tpu.vector_load %arg10[%get3A_543] {strides = array<i32>} : memref<256xi32, #tpu.memory_space<vmem>>, vector<16xi32>,
      %ne3A_545 = arith.constant 1 : i32
      %ne3A_546 = vector.broadcast %ne3A_545 : i32 to vector<16xi32>
      %ne3A_547 = arith.cmpi ne, %get3A_544, %ne3A_546 : vector<16xi32>
      %jit3A_548 = arith.constant 1 : i32
      %jit3A_549 = arith.constant 0 : i32
      %broadcast_in_dim3A_550 = vector.broadcast %jit3A_548 : i32 to vector<16xi32>
      %broadcast_in_dim3A_551 = vector.broadcast %jit3A_549 : i32 to vector<16xi32>
      %select_n3A_552 = arith.select %ne3A_547, %broadcast_in_dim3A_550, %broadcast_in_dim3A_551 : vector<16xi1>, vector<16xi32>
      %add3A_553 = arith.addi %add3A_542, %select_n3A_552 : vector<16xi32>
      %get3A_554 = arith.constant 96 : index
      %get3A_555 = tpu.vector_load %arg10[%get3A_554] {strides = array<i32>} : memref<256xi32, #tpu.memory_space<vmem>>, vector<16xi32>,
      %ne3A_556 = arith.constant 1 : i32
      %ne3A_557 = vector.broadcast %ne3A_556 : i32 to vector<16xi32>
      %ne3A_558 = arith.cmpi ne, %get3A_555, %ne3A_557 : vector<16xi32>
      %jit3A_559 = arith.constant 1 : i32
      %jit3A_560 = arith.constant 0 : i32
      %broadcast_in_dim3A_561 = vector.broadcast %jit3A_559 : i32 to vector<16xi32>
      %broadcast_in_dim3A_562 = vector.broadcast %jit3A_560 : i32 to vector<16xi32>
      %select_n3A_563 = arith.select %ne3A_558, %broadcast_in_dim3A_561, %broadcast_in_dim3A_562 : vector<16xi1>, vector<16xi32>
      %add3A_564 = arith.addi %add3A_553, %select_n3A_563 : vector<16xi32>
      %get3A_565 = arith.constant 112 : index
      %get3A_566 = tpu.vector_load %arg10[%get3A_565] {strides = array<i32>} : memref<256xi32, #tpu.memory_space<vmem>>, vector<16xi32>,
      %ne3A_567 = arith.constant 1 : i32
      %ne3A_568 = vector.broadcast %ne3A_567 : i32 to vector<16xi32>
      %ne3A_569 = arith.cmpi ne, %get3A_566, %ne3A_568 : vector<16xi32>
      %jit3A_570 = arith.constant 1 : i32
      %jit3A_571 = arith.constant 0 : i32
      %broadcast_in_dim3A_572 = vector.broadcast %jit3A_570 : i32 to vector<16xi32>
      %broadcast_in_dim3A_573 = vector.broadcast %jit3A_571 : i32 to vector<16xi32>
      %select_n3A_574 = arith.select %ne3A_569, %broadcast_in_dim3A_572, %broadcast_in_dim3A_573 : vector<16xi1>, vector<16xi32>
      %add3A_575 = arith.addi %add3A_564, %select_n3A_574 : vector<16xi32>
      %get3A_576 = arith.constant 128 : index
      %get3A_577 = tpu.vector_load %arg10[%get3A_576] {strides = array<i32>} : memref<256xi32, #tpu.memory_space<vmem>>, vector<16xi32>,
      %ne3A_578 = arith.constant 1 : i32
      %ne3A_579 = vector.broadcast %ne3A_578 : i32 to vector<16xi32>
      %ne3A_580 = arith.cmpi ne, %get3A_577, %ne3A_579 : vector<16xi32>
      %jit3A_581 = arith.constant 1 : i32
      %jit3A_582 = arith.constant 0 : i32
      %broadcast_in_dim3A_583 = vector.broadcast %jit3A_581 : i32 to vector<16xi32>
      %broadcast_in_dim3A_584 = vector.broadcast %jit3A_582 : i32 to vector<16xi32>
      %select_n3A_585 = arith.select %ne3A_580, %broadcast_in_dim3A_583, %broadcast_in_dim3A_584 : vector<16xi1>, vector<16xi32>
      %add3A_586 = arith.addi %add3A_575, %select_n3A_585 : vector<16xi32>
      %get3A_587 = arith.constant 144 : index
      %get3A_588 = tpu.vector_load %arg10[%get3A_587] {strides = array<i32>} : memref<256xi32, #tpu.memory_space<vmem>>, vector<16xi32>,
      %ne3A_589 = arith.constant 1 : i32
      %ne3A_590 = vector.broadcast %ne3A_589 : i32 to vector<16xi32>
      %ne3A_591 = arith.cmpi ne, %get3A_588, %ne3A_590 : vector<16xi32>
      %jit3A_592 = arith.constant 1 : i32
      %jit3A_593 = arith.constant 0 : i32
      %broadcast_in_dim3A_594 = vector.broadcast %jit3A_592 : i32 to vector<16xi32>
      %broadcast_in_dim3A_595 = vector.broadcast %jit3A_593 : i32 to vector<16xi32>
      %select_n3A_596 = arith.select %ne3A_591, %broadcast_in_dim3A_594, %broadcast_in_dim3A_595 : vector<16xi1>, vector<16xi32>
      %add3A_597 = arith.addi %add3A_586, %select_n3A_596 : vector<16xi32>
      %get3A_598 = arith.constant 160 : index
      %get3A_599 = tpu.vector_load %arg10[%get3A_598] {strides = array<i32>} : memref<256xi32, #tpu.memory_space<vmem>>, vector<16xi32>,
      %ne3A_600 = arith.constant 1 : i32
      %ne3A_601 = vector.broadcast %ne3A_600 : i32 to vector<16xi32>
      %ne3A_602 = arith.cmpi ne, %get3A_599, %ne3A_601 : vector<16xi32>
      %jit3A_603 = arith.constant 1 : i32
      %jit3A_604 = arith.constant 0 : i32
      %broadcast_in_dim3A_605 = vector.broadcast %jit3A_603 : i32 to vector<16xi32>
      %broadcast_in_dim3A_606 = vector.broadcast %jit3A_604 : i32 to vector<16xi32>
      %select_n3A_607 = arith.select %ne3A_602, %broadcast_in_dim3A_605, %broadcast_in_dim3A_606 : vector<16xi1>, vector<16xi32>
      %add3A_608 = arith.addi %add3A_597, %select_n3A_607 : vector<16xi32>
      %get3A_609 = arith.constant 176 : index
      %get3A_610 = tpu.vector_load %arg10[%get3A_609] {strides = array<i32>} : memref<256xi32, #tpu.memory_space<vmem>>, vector<16xi32>,
      %ne3A_611 = arith.constant 1 : i32
      %ne3A_612 = vector.broadcast %ne3A_611 : i32 to vector<16xi32>
      %ne3A_613 = arith.cmpi ne, %get3A_610, %ne3A_612 : vector<16xi32>
      %jit3A_614 = arith.constant 1 : i32
      %jit3A_615 = arith.constant 0 : i32
      %broadcast_in_dim3A_616 = vector.broadcast %jit3A_614 : i32 to vector<16xi32>
      %broadcast_in_dim3A_617 = vector.broadcast %jit3A_615 : i32 to vector<16xi32>
      %select_n3A_618 = arith.select %ne3A_613, %broadcast_in_dim3A_616, %broadcast_in_dim3A_617 : vector<16xi1>, vector<16xi32>
      %add3A_619 = arith.addi %add3A_608, %select_n3A_618 : vector<16xi32>
      %get3A_620 = arith.constant 192 : index
      %get3A_621 = tpu.vector_load %arg10[%get3A_620] {strides = array<i32>} : memref<256xi32, #tpu.memory_space<vmem>>, vector<16xi32>,
      %ne3A_622 = arith.constant 1 : i32
      %ne3A_623 = vector.broadcast %ne3A_622 : i32 to vector<16xi32>
      %ne3A_624 = arith.cmpi ne, %get3A_621, %ne3A_623 : vector<16xi32>
      %jit3A_625 = arith.constant 1 : i32
      %jit3A_626 = arith.constant 0 : i32
      %broadcast_in_dim3A_627 = vector.broadcast %jit3A_625 : i32 to vector<16xi32>
      %broadcast_in_dim3A_628 = vector.broadcast %jit3A_626 : i32 to vector<16xi32>
      %select_n3A_629 = arith.select %ne3A_624, %broadcast_in_dim3A_627, %broadcast_in_dim3A_628 : vector<16xi1>, vector<16xi32>
      %add3A_630 = arith.addi %add3A_619, %select_n3A_629 : vector<16xi32>
      %get3A_631 = arith.constant 208 : index
      %get3A_632 = tpu.vector_load %arg10[%get3A_631] {strides = array<i32>} : memref<256xi32, #tpu.memory_space<vmem>>, vector<16xi32>,
      %ne3A_633 = arith.constant 1 : i32
      %ne3A_634 = vector.broadcast %ne3A_633 : i32 to vector<16xi32>
      %ne3A_635 = arith.cmpi ne, %get3A_632, %ne3A_634 : vector<16xi32>
      %jit3A_636 = arith.constant 1 : i32
      %jit3A_637 = arith.constant 0 : i32
      %broadcast_in_dim3A_638 = vector.broadcast %jit3A_636 : i32 to vector<16xi32>
      %broadcast_in_dim3A_639 = vector.broadcast %jit3A_637 : i32 to vector<16xi32>
      %select_n3A_640 = arith.select %ne3A_635, %broadcast_in_dim3A_638, %broadcast_in_dim3A_639 : vector<16xi1>, vector<16xi32>
      %add3A_641 = arith.addi %add3A_630, %select_n3A_640 : vector<16xi32>
      %get3A_642 = arith.constant 224 : index
      %get3A_643 = tpu.vector_load %arg10[%get3A_642] {strides = array<i32>} : memref<256xi32, #tpu.memory_space<vmem>>, vector<16xi32>,
      %ne3A_644 = arith.constant 1 : i32
      %ne3A_645 = vector.broadcast %ne3A_644 : i32 to vector<16xi32>
      %ne3A_646 = arith.cmpi ne, %get3A_643, %ne3A_645 : vector<16xi32>
      %jit3A_647 = arith.constant 1 : i32
      %jit3A_648 = arith.constant 0 : i32
      %broadcast_in_dim3A_649 = vector.broadcast %jit3A_647 : i32 to vector<16xi32>
      %broadcast_in_dim3A_650 = vector.broadcast %jit3A_648 : i32 to vector<16xi32>
      %select_n3A_651 = arith.select %ne3A_646, %broadcast_in_dim3A_649, %broadcast_in_dim3A_650 : vector<16xi1>, vector<16xi32>
      %add3A_652 = arith.addi %add3A_641, %select_n3A_651 : vector<16xi32>
      %get3A_653 = arith.constant 240 : index
      %get3A_654 = tpu.vector_load %arg10[%get3A_653] {strides = array<i32>} : memref<256xi32, #tpu.memory_space<vmem>>, vector<16xi32>,
      %ne3A_655 = arith.constant 1 : i32
      %ne3A_656 = vector.broadcast %ne3A_655 : i32 to vector<16xi32>
      %ne3A_657 = arith.cmpi ne, %get3A_654, %ne3A_656 : vector<16xi32>
      %jit3A_658 = arith.constant 1 : i32
      %jit3A_659 = arith.constant 0 : i32
      %broadcast_in_dim3A_660 = vector.broadcast %jit3A_658 : i32 to vector<16xi32>
      %broadcast_in_dim3A_661 = vector.broadcast %jit3A_659 : i32 to vector<16xi32>
      %select_n3A_662 = arith.select %ne3A_657, %broadcast_in_dim3A_660, %broadcast_in_dim3A_661 : vector<16xi1>, vector<16xi32>
      %add3A_663 = arith.addi %add3A_652, %select_n3A_662 : vector<16xi32>
      scf.yield %add3A_663 : vector<16xi32>
    }
    %reduce_sum3A = arith.constant true
    %reduce_sum3A_57 = vector.broadcast %reduce_sum3A : i1 to vector<16xi1>
    %reduce_sum3A_58 = tpu.scan <sum>, %while3A_56 masked %reduce_sum3A_57 : vector<16xi32>, vector<16xi1> -> vector<16xi32>
    %reduce_sum3A_59 = vector.extract %reduce_sum3A_58[15] : i32 from vector<16xi32>
    %get3A = arith.constant 0 : index
    %get3A_60 = tpu.vector_load %arg8[%get3A] {strides = array<i32>} : memref<256xi32, #tpu.memory_space<vmem>>, vector<16xi32>,
    %ne3A_61 = arith.constant 1 : i32
    %ne3A_62 = vector.broadcast %ne3A_61 : i32 to vector<16xi32>
    %ne3A_63 = arith.cmpi ne, %get3A_60, %ne3A_62 : vector<16xi32>
    %jit3A_64 = arith.constant 1 : i32
    %jit3A_65 = arith.constant 0 : i32
    %broadcast_in_dim3A_66 = vector.broadcast %jit3A_64 : i32 to vector<16xi32>
    %broadcast_in_dim3A_67 = vector.broadcast %jit3A_65 : i32 to vector<16xi32>
    %select_n3A_68 = arith.select %ne3A_63, %broadcast_in_dim3A_66, %broadcast_in_dim3A_67 : vector<16xi1>, vector<16xi32>
    %broadcast_in_dim3A_69 = arith.constant true
    %broadcast_in_dim3A_70 = vector.broadcast %broadcast_in_dim3A_69 : i1 to vector<16xi1>
    %masked_cumsum3A = tpu.scan <sum>, %select_n3A_68 masked %broadcast_in_dim3A_70 : vector<16xi32>, vector<16xi1> -> vector<16xi32>
    %add3A_71 = vector.broadcast %reduce_sum3A_59 : i32 to vector<16xi32>
    %add3A_72 = arith.addi %masked_cumsum3A, %add3A_71 : vector<16xi32>
    %mul3A_73 = arith.muli %add3A_72, %select_n3A_68 : vector<16xi32>
    %add3A_74 = arith.constant 1 : i32
    %add3A_75 = vector.broadcast %add3A_74 : i32 to vector<16xi32>
    %add3A_76 = arith.addi %mul3A_73, %add3A_75 : vector<16xi32>
    %swap3A = arith.constant 0 : index
    %swap3A_77 = tpu.vector_load %arg9[%swap3A] {strides = array<i32>} : memref<256xi32, #tpu.memory_space<vmem>>, vector<16xi32>,
    tpu.vector_store %arg9[%swap3A], %add3A_76 {strides = array<i32>} : memref<256xi32, #tpu.memory_space<vmem>>, vector<16xi32>,
    %reduce_sum3A_78 = arith.constant true
    %reduce_sum3A_79 = vector.broadcast %reduce_sum3A_78 : i1 to vector<16xi1>
    %reduce_sum3A_80 = tpu.scan <sum>, %select_n3A_68 masked %reduce_sum3A_79 : vector<16xi32>, vector<16xi1> -> vector<16xi32>
    %reduce_sum3A_81 = vector.extract %reduce_sum3A_80[15] : i32 from vector<16xi32>
    %add3A_82 = arith.addi %reduce_sum3A_59, %reduce_sum3A_81 : i32
    %get3A_83 = arith.constant 16 : index
    %get3A_84 = tpu.vector_load %arg8[%get3A_83] {strides = array<i32>} : memref<256xi32, #tpu.memory_space<vmem>>, vector<16xi32>,
    %ne3A_85 = arith.constant 1 : i32
    %ne3A_86 = vector.broadcast %ne3A_85 : i32 to vector<16xi32>
    %ne3A_87 = arith.cmpi ne, %get3A_84, %ne3A_86 : vector<16xi32>
    %jit3A_88 = arith.constant 1 : i32
    %jit3A_89 = arith.constant 0 : i32
    %broadcast_in_dim3A_90 = vector.broadcast %jit3A_88 : i32 to vector<16xi32>
    %broadcast_in_dim3A_91 = vector.broadcast %jit3A_89 : i32 to vector<16xi32>
    %select_n3A_92 = arith.select %ne3A_87, %broadcast_in_dim3A_90, %broadcast_in_dim3A_91 : vector<16xi1>, vector<16xi32>
    %broadcast_in_dim3A_93 = arith.constant true
    %broadcast_in_dim3A_94 = vector.broadcast %broadcast_in_dim3A_93 : i1 to vector<16xi1>
    %masked_cumsum3A_95 = tpu.scan <sum>, %select_n3A_92 masked %broadcast_in_dim3A_94 : vector<16xi32>, vector<16xi1> -> vector<16xi32>
    %add3A_96 = vector.broadcast %add3A_82 : i32 to vector<16xi32>
    %add3A_97 = arith.addi %masked_cumsum3A_95, %add3A_96 : vector<16xi32>
    %mul3A_98 = arith.muli %add3A_97, %select_n3A_92 : vector<16xi32>
    %add3A_99 = arith.constant 1 : i32
    %add3A_100 = vector.broadcast %add3A_99 : i32 to vector<16xi32>
    %add3A_101 = arith.addi %mul3A_98, %add3A_100 : vector<16xi32>
    %swap3A_102 = arith.constant 16 : index
    %swap3A_103 = tpu.vector_load %arg9[%swap3A_102] {strides = array<i32>} : memref<256xi32, #tpu.memory_space<vmem>>, vector<16xi32>,
    tpu.vector_store %arg9[%swap3A_102], %add3A_101 {strides = array<i32>} : memref<256xi32, #tpu.memory_space<vmem>>, vector<16xi32>,
    %reduce_sum3A_104 = arith.constant true
    %reduce_sum3A_105 = vector.broadcast %reduce_sum3A_104 : i1 to vector<16xi1>
    %reduce_sum3A_106 = tpu.scan <sum>, %select_n3A_92 masked %reduce_sum3A_105 : vector<16xi32>, vector<16xi1> -> vector<16xi32>
    %reduce_sum3A_107 = vector.extract %reduce_sum3A_106[15] : i32 from vector<16xi32>
    %add3A_108 = arith.addi %add3A_82, %reduce_sum3A_107 : i32
    %get3A_109 = arith.constant 32 : index
    %get3A_110 = tpu.vector_load %arg8[%get3A_109] {strides = array<i32>} : memref<256xi32, #tpu.memory_space<vmem>>, vector<16xi32>,
    %ne3A_111 = arith.constant 1 : i32
    %ne3A_112 = vector.broadcast %ne3A_111 : i32 to vector<16xi32>
    %ne3A_113 = arith.cmpi ne, %get3A_110, %ne3A_112 : vector<16xi32>
    %jit3A_114 = arith.constant 1 : i32
    %jit3A_115 = arith.constant 0 : i32
    %broadcast_in_dim3A_116 = vector.broadcast %jit3A_114 : i32 to vector<16xi32>
    %broadcast_in_dim3A_117 = vector.broadcast %jit3A_115 : i32 to vector<16xi32>
    %select_n3A_118 = arith.select %ne3A_113, %broadcast_in_dim3A_116, %broadcast_in_dim3A_117 : vector<16xi1>, vector<16xi32>
    %broadcast_in_dim3A_119 = arith.constant true
    %broadcast_in_dim3A_120 = vector.broadcast %broadcast_in_dim3A_119 : i1 to vector<16xi1>
    %masked_cumsum3A_121 = tpu.scan <sum>, %select_n3A_118 masked %broadcast_in_dim3A_120 : vector<16xi32>, vector<16xi1> -> vector<16xi32>
    %add3A_122 = vector.broadcast %add3A_108 : i32 to vector<16xi32>
    %add3A_123 = arith.addi %masked_cumsum3A_121, %add3A_122 : vector<16xi32>
    %mul3A_124 = arith.muli %add3A_123, %select_n3A_118 : vector<16xi32>
    %add3A_125 = arith.constant 1 : i32
    %add3A_126 = vector.broadcast %add3A_125 : i32 to vector<16xi32>
    %add3A_127 = arith.addi %mul3A_124, %add3A_126 : vector<16xi32>
    %swap3A_128 = arith.constant 32 : index
    %swap3A_129 = tpu.vector_load %arg9[%swap3A_128] {strides = array<i32>} : memref<256xi32, #tpu.memory_space<vmem>>, vector<16xi32>,
    tpu.vector_store %arg9[%swap3A_128], %add3A_127 {strides = array<i32>} : memref<256xi32, #tpu.memory_space<vmem>>, vector<16xi32>,
    %reduce_sum3A_130 = arith.constant true
    %reduce_sum3A_131 = vector.broadcast %reduce_sum3A_130 : i1 to vector<16xi1>
    %reduce_sum3A_132 = tpu.scan <sum>, %select_n3A_118 masked %reduce_sum3A_131 : vector<16xi32>, vector<16xi1> -> vector<16xi32>
    %reduce_sum3A_133 = vector.extract %reduce_sum3A_132[15] : i32 from vector<16xi32>
    %add3A_134 = arith.addi %add3A_108, %reduce_sum3A_133 : i32
    %get3A_135 = arith.constant 48 : index
    %get3A_136 = tpu.vector_load %arg8[%get3A_135] {strides = array<i32>} : memref<256xi32, #tpu.memory_space<vmem>>, vector<16xi32>,
    %ne3A_137 = arith.constant 1 : i32
    %ne3A_138 = vector.broadcast %ne3A_137 : i32 to vector<16xi32>
    %ne3A_139 = arith.cmpi ne, %get3A_136, %ne3A_138 : vector<16xi32>
    %jit3A_140 = arith.constant 1 : i32
    %jit3A_141 = arith.constant 0 : i32
    %broadcast_in_dim3A_142 = vector.broadcast %jit3A_140 : i32 to vector<16xi32>
    %broadcast_in_dim3A_143 = vector.broadcast %jit3A_141 : i32 to vector<16xi32>
    %select_n3A_144 = arith.select %ne3A_139, %broadcast_in_dim3A_142, %broadcast_in_dim3A_143 : vector<16xi1>, vector<16xi32>
    %broadcast_in_dim3A_145 = arith.constant true
    %broadcast_in_dim3A_146 = vector.broadcast %broadcast_in_dim3A_145 : i1 to vector<16xi1>
    %masked_cumsum3A_147 = tpu.scan <sum>, %select_n3A_144 masked %broadcast_in_dim3A_146 : vector<16xi32>, vector<16xi1> -> vector<16xi32>
    %add3A_148 = vector.broadcast %add3A_134 : i32 to vector<16xi32>
    %add3A_149 = arith.addi %masked_cumsum3A_147, %add3A_148 : vector<16xi32>
    %mul3A_150 = arith.muli %add3A_149, %select_n3A_144 : vector<16xi32>
    %add3A_151 = arith.constant 1 : i32
    %add3A_152 = vector.broadcast %add3A_151 : i32 to vector<16xi32>
    %add3A_153 = arith.addi %mul3A_150, %add3A_152 : vector<16xi32>
    %swap3A_154 = arith.constant 48 : index
    %swap3A_155 = tpu.vector_load %arg9[%swap3A_154] {strides = array<i32>} : memref<256xi32, #tpu.memory_space<vmem>>, vector<16xi32>,
    tpu.vector_store %arg9[%swap3A_154], %add3A_153 {strides = array<i32>} : memref<256xi32, #tpu.memory_space<vmem>>, vector<16xi32>,
    %reduce_sum3A_156 = arith.constant true
    %reduce_sum3A_157 = vector.broadcast %reduce_sum3A_156 : i1 to vector<16xi1>
    %reduce_sum3A_158 = tpu.scan <sum>, %select_n3A_144 masked %reduce_sum3A_157 : vector<16xi32>, vector<16xi1> -> vector<16xi32>
    %reduce_sum3A_159 = vector.extract %reduce_sum3A_158[15] : i32 from vector<16xi32>
    %add3A_160 = arith.addi %add3A_134, %reduce_sum3A_159 : i32
    %get3A_161 = arith.constant 64 : index
    %get3A_162 = tpu.vector_load %arg8[%get3A_161] {strides = array<i32>} : memref<256xi32, #tpu.memory_space<vmem>>, vector<16xi32>,
    %ne3A_163 = arith.constant 1 : i32
    %ne3A_164 = vector.broadcast %ne3A_163 : i32 to vector<16xi32>
    %ne3A_165 = arith.cmpi ne, %get3A_162, %ne3A_164 : vector<16xi32>
    %jit3A_166 = arith.constant 1 : i32
    %jit3A_167 = arith.constant 0 : i32
    %broadcast_in_dim3A_168 = vector.broadcast %jit3A_166 : i32 to vector<16xi32>
    %broadcast_in_dim3A_169 = vector.broadcast %jit3A_167 : i32 to vector<16xi32>
    %select_n3A_170 = arith.select %ne3A_165, %broadcast_in_dim3A_168, %broadcast_in_dim3A_169 : vector<16xi1>, vector<16xi32>
    %broadcast_in_dim3A_171 = arith.constant true
    %broadcast_in_dim3A_172 = vector.broadcast %broadcast_in_dim3A_171 : i1 to vector<16xi1>
    %masked_cumsum3A_173 = tpu.scan <sum>, %select_n3A_170 masked %broadcast_in_dim3A_172 : vector<16xi32>, vector<16xi1> -> vector<16xi32>
    %add3A_174 = vector.broadcast %add3A_160 : i32 to vector<16xi32>
    %add3A_175 = arith.addi %masked_cumsum3A_173, %add3A_174 : vector<16xi32>
    %mul3A_176 = arith.muli %add3A_175, %select_n3A_170 : vector<16xi32>
    %add3A_177 = arith.constant 1 : i32
    %add3A_178 = vector.broadcast %add3A_177 : i32 to vector<16xi32>
    %add3A_179 = arith.addi %mul3A_176, %add3A_178 : vector<16xi32>
    %swap3A_180 = arith.constant 64 : index
    %swap3A_181 = tpu.vector_load %arg9[%swap3A_180] {strides = array<i32>} : memref<256xi32, #tpu.memory_space<vmem>>, vector<16xi32>,
    tpu.vector_store %arg9[%swap3A_180], %add3A_179 {strides = array<i32>} : memref<256xi32, #tpu.memory_space<vmem>>, vector<16xi32>,
    %reduce_sum3A_182 = arith.constant true
    %reduce_sum3A_183 = vector.broadcast %reduce_sum3A_182 : i1 to vector<16xi1>
    %reduce_sum3A_184 = tpu.scan <sum>, %select_n3A_170 masked %reduce_sum3A_183 : vector<16xi32>, vector<16xi1> -> vector<16xi32>
    %reduce_sum3A_185 = vector.extract %reduce_sum3A_184[15] : i32 from vector<16xi32>
    %add3A_186 = arith.addi %add3A_160, %reduce_sum3A_185 : i32
    %get3A_187 = arith.constant 80 : index
    %get3A_188 = tpu.vector_load %arg8[%get3A_187] {strides = array<i32>} : memref<256xi32, #tpu.memory_space<vmem>>, vector<16xi32>,
    %ne3A_189 = arith.constant 1 : i32
    %ne3A_190 = vector.broadcast %ne3A_189 : i32 to vector<16xi32>
    %ne3A_191 = arith.cmpi ne, %get3A_188, %ne3A_190 : vector<16xi32>
    %jit3A_192 = arith.constant 1 : i32
    %jit3A_193 = arith.constant 0 : i32
    %broadcast_in_dim3A_194 = vector.broadcast %jit3A_192 : i32 to vector<16xi32>
    %broadcast_in_dim3A_195 = vector.broadcast %jit3A_193 : i32 to vector<16xi32>
    %select_n3A_196 = arith.select %ne3A_191, %broadcast_in_dim3A_194, %broadcast_in_dim3A_195 : vector<16xi1>, vector<16xi32>
    %broadcast_in_dim3A_197 = arith.constant true
    %broadcast_in_dim3A_198 = vector.broadcast %broadcast_in_dim3A_197 : i1 to vector<16xi1>
    %masked_cumsum3A_199 = tpu.scan <sum>, %select_n3A_196 masked %broadcast_in_dim3A_198 : vector<16xi32>, vector<16xi1> -> vector<16xi32>
    %add3A_200 = vector.broadcast %add3A_186 : i32 to vector<16xi32>
    %add3A_201 = arith.addi %masked_cumsum3A_199, %add3A_200 : vector<16xi32>
    %mul3A_202 = arith.muli %add3A_201, %select_n3A_196 : vector<16xi32>
    %add3A_203 = arith.constant 1 : i32
    %add3A_204 = vector.broadcast %add3A_203 : i32 to vector<16xi32>
    %add3A_205 = arith.addi %mul3A_202, %add3A_204 : vector<16xi32>
    %swap3A_206 = arith.constant 80 : index
    %swap3A_207 = tpu.vector_load %arg9[%swap3A_206] {strides = array<i32>} : memref<256xi32, #tpu.memory_space<vmem>>, vector<16xi32>,
    tpu.vector_store %arg9[%swap3A_206], %add3A_205 {strides = array<i32>} : memref<256xi32, #tpu.memory_space<vmem>>, vector<16xi32>,
    %reduce_sum3A_208 = arith.constant true
    %reduce_sum3A_209 = vector.broadcast %reduce_sum3A_208 : i1 to vector<16xi1>
    %reduce_sum3A_210 = tpu.scan <sum>, %select_n3A_196 masked %reduce_sum3A_209 : vector<16xi32>, vector<16xi1> -> vector<16xi32>
    %reduce_sum3A_211 = vector.extract %reduce_sum3A_210[15] : i32 from vector<16xi32>
    %add3A_212 = arith.addi %add3A_186, %reduce_sum3A_211 : i32
    %get3A_213 = arith.constant 96 : index
    %get3A_214 = tpu.vector_load %arg8[%get3A_213] {strides = array<i32>} : memref<256xi32, #tpu.memory_space<vmem>>, vector<16xi32>,
    %ne3A_215 = arith.constant 1 : i32
    %ne3A_216 = vector.broadcast %ne3A_215 : i32 to vector<16xi32>
    %ne3A_217 = arith.cmpi ne, %get3A_214, %ne3A_216 : vector<16xi32>
    %jit3A_218 = arith.constant 1 : i32
    %jit3A_219 = arith.constant 0 : i32
    %broadcast_in_dim3A_220 = vector.broadcast %jit3A_218 : i32 to vector<16xi32>
    %broadcast_in_dim3A_221 = vector.broadcast %jit3A_219 : i32 to vector<16xi32>
    %select_n3A_222 = arith.select %ne3A_217, %broadcast_in_dim3A_220, %broadcast_in_dim3A_221 : vector<16xi1>, vector<16xi32>
    %broadcast_in_dim3A_223 = arith.constant true
    %broadcast_in_dim3A_224 = vector.broadcast %broadcast_in_dim3A_223 : i1 to vector<16xi1>
    %masked_cumsum3A_225 = tpu.scan <sum>, %select_n3A_222 masked %broadcast_in_dim3A_224 : vector<16xi32>, vector<16xi1> -> vector<16xi32>
    %add3A_226 = vector.broadcast %add3A_212 : i32 to vector<16xi32>
    %add3A_227 = arith.addi %masked_cumsum3A_225, %add3A_226 : vector<16xi32>
    %mul3A_228 = arith.muli %add3A_227, %select_n3A_222 : vector<16xi32>
    %add3A_229 = arith.constant 1 : i32
    %add3A_230 = vector.broadcast %add3A_229 : i32 to vector<16xi32>
    %add3A_231 = arith.addi %mul3A_228, %add3A_230 : vector<16xi32>
    %swap3A_232 = arith.constant 96 : index
    %swap3A_233 = tpu.vector_load %arg9[%swap3A_232] {strides = array<i32>} : memref<256xi32, #tpu.memory_space<vmem>>, vector<16xi32>,
    tpu.vector_store %arg9[%swap3A_232], %add3A_231 {strides = array<i32>} : memref<256xi32, #tpu.memory_space<vmem>>, vector<16xi32>,
    %reduce_sum3A_234 = arith.constant true
    %reduce_sum3A_235 = vector.broadcast %reduce_sum3A_234 : i1 to vector<16xi1>
    %reduce_sum3A_236 = tpu.scan <sum>, %select_n3A_222 masked %reduce_sum3A_235 : vector<16xi32>, vector<16xi1> -> vector<16xi32>
    %reduce_sum3A_237 = vector.extract %reduce_sum3A_236[15] : i32 from vector<16xi32>
    %add3A_238 = arith.addi %add3A_212, %reduce_sum3A_237 : i32
    %get3A_239 = arith.constant 112 : index
    %get3A_240 = tpu.vector_load %arg8[%get3A_239] {strides = array<i32>} : memref<256xi32, #tpu.memory_space<vmem>>, vector<16xi32>,
    %ne3A_241 = arith.constant 1 : i32
    %ne3A_242 = vector.broadcast %ne3A_241 : i32 to vector<16xi32>
    %ne3A_243 = arith.cmpi ne, %get3A_240, %ne3A_242 : vector<16xi32>
    %jit3A_244 = arith.constant 1 : i32
    %jit3A_245 = arith.constant 0 : i32
    %broadcast_in_dim3A_246 = vector.broadcast %jit3A_244 : i32 to vector<16xi32>
    %broadcast_in_dim3A_247 = vector.broadcast %jit3A_245 : i32 to vector<16xi32>
    %select_n3A_248 = arith.select %ne3A_243, %broadcast_in_dim3A_246, %broadcast_in_dim3A_247 : vector<16xi1>, vector<16xi32>
    %broadcast_in_dim3A_249 = arith.constant true
    %broadcast_in_dim3A_250 = vector.broadcast %broadcast_in_dim3A_249 : i1 to vector<16xi1>
    %masked_cumsum3A_251 = tpu.scan <sum>, %select_n3A_248 masked %broadcast_in_dim3A_250 : vector<16xi32>, vector<16xi1> -> vector<16xi32>
    %add3A_252 = vector.broadcast %add3A_238 : i32 to vector<16xi32>
    %add3A_253 = arith.addi %masked_cumsum3A_251, %add3A_252 : vector<16xi32>
    %mul3A_254 = arith.muli %add3A_253, %select_n3A_248 : vector<16xi32>
    %add3A_255 = arith.constant 1 : i32
    %add3A_256 = vector.broadcast %add3A_255 : i32 to vector<16xi32>
    %add3A_257 = arith.addi %mul3A_254, %add3A_256 : vector<16xi32>
    %swap3A_258 = arith.constant 112 : index
    %swap3A_259 = tpu.vector_load %arg9[%swap3A_258] {strides = array<i32>} : memref<256xi32, #tpu.memory_space<vmem>>, vector<16xi32>,
    tpu.vector_store %arg9[%swap3A_258], %add3A_257 {strides = array<i32>} : memref<256xi32, #tpu.memory_space<vmem>>, vector<16xi32>,
    %reduce_sum3A_260 = arith.constant true
    %reduce_sum3A_261 = vector.broadcast %reduce_sum3A_260 : i1 to vector<16xi1>
    %reduce_sum3A_262 = tpu.scan <sum>, %select_n3A_248 masked %reduce_sum3A_261 : vector<16xi32>, vector<16xi1> -> vector<16xi32>
    %reduce_sum3A_263 = vector.extract %reduce_sum3A_262[15] : i32 from vector<16xi32>
    %add3A_264 = arith.addi %add3A_238, %reduce_sum3A_263 : i32
    %get3A_265 = arith.constant 128 : index
    %get3A_266 = tpu.vector_load %arg8[%get3A_265] {strides = array<i32>} : memref<256xi32, #tpu.memory_space<vmem>>, vector<16xi32>,
    %ne3A_267 = arith.constant 1 : i32
    %ne3A_268 = vector.broadcast %ne3A_267 : i32 to vector<16xi32>
    %ne3A_269 = arith.cmpi ne, %get3A_266, %ne3A_268 : vector<16xi32>
    %jit3A_270 = arith.constant 1 : i32
    %jit3A_271 = arith.constant 0 : i32
    %broadcast_in_dim3A_272 = vector.broadcast %jit3A_270 : i32 to vector<16xi32>
    %broadcast_in_dim3A_273 = vector.broadcast %jit3A_271 : i32 to vector<16xi32>
    %select_n3A_274 = arith.select %ne3A_269, %broadcast_in_dim3A_272, %broadcast_in_dim3A_273 : vector<16xi1>, vector<16xi32>
    %broadcast_in_dim3A_275 = arith.constant true
    %broadcast_in_dim3A_276 = vector.broadcast %broadcast_in_dim3A_275 : i1 to vector<16xi1>
    %masked_cumsum3A_277 = tpu.scan <sum>, %select_n3A_274 masked %broadcast_in_dim3A_276 : vector<16xi32>, vector<16xi1> -> vector<16xi32>
    %add3A_278 = vector.broadcast %add3A_264 : i32 to vector<16xi32>
    %add3A_279 = arith.addi %masked_cumsum3A_277, %add3A_278 : vector<16xi32>
    %mul3A_280 = arith.muli %add3A_279, %select_n3A_274 : vector<16xi32>
    %add3A_281 = arith.constant 1 : i32
    %add3A_282 = vector.broadcast %add3A_281 : i32 to vector<16xi32>
    %add3A_283 = arith.addi %mul3A_280, %add3A_282 : vector<16xi32>
    %swap3A_284 = arith.constant 128 : index
    %swap3A_285 = tpu.vector_load %arg9[%swap3A_284] {strides = array<i32>} : memref<256xi32, #tpu.memory_space<vmem>>, vector<16xi32>,
    tpu.vector_store %arg9[%swap3A_284], %add3A_283 {strides = array<i32>} : memref<256xi32, #tpu.memory_space<vmem>>, vector<16xi32>,
    %reduce_sum3A_286 = arith.constant true
    %reduce_sum3A_287 = vector.broadcast %reduce_sum3A_286 : i1 to vector<16xi1>
    %reduce_sum3A_288 = tpu.scan <sum>, %select_n3A_274 masked %reduce_sum3A_287 : vector<16xi32>, vector<16xi1> -> vector<16xi32>
    %reduce_sum3A_289 = vector.extract %reduce_sum3A_288[15] : i32 from vector<16xi32>
    %add3A_290 = arith.addi %add3A_264, %reduce_sum3A_289 : i32
    %get3A_291 = arith.constant 144 : index
    %get3A_292 = tpu.vector_load %arg8[%get3A_291] {strides = array<i32>} : memref<256xi32, #tpu.memory_space<vmem>>, vector<16xi32>,
    %ne3A_293 = arith.constant 1 : i32
    %ne3A_294 = vector.broadcast %ne3A_293 : i32 to vector<16xi32>
    %ne3A_295 = arith.cmpi ne, %get3A_292, %ne3A_294 : vector<16xi32>
    %jit3A_296 = arith.constant 1 : i32
    %jit3A_297 = arith.constant 0 : i32
    %broadcast_in_dim3A_298 = vector.broadcast %jit3A_296 : i32 to vector<16xi32>
    %broadcast_in_dim3A_299 = vector.broadcast %jit3A_297 : i32 to vector<16xi32>
    %select_n3A_300 = arith.select %ne3A_295, %broadcast_in_dim3A_298, %broadcast_in_dim3A_299 : vector<16xi1>, vector<16xi32>
    %broadcast_in_dim3A_301 = arith.constant true
    %broadcast_in_dim3A_302 = vector.broadcast %broadcast_in_dim3A_301 : i1 to vector<16xi1>
    %masked_cumsum3A_303 = tpu.scan <sum>, %select_n3A_300 masked %broadcast_in_dim3A_302 : vector<16xi32>, vector<16xi1> -> vector<16xi32>
    %add3A_304 = vector.broadcast %add3A_290 : i32 to vector<16xi32>
    %add3A_305 = arith.addi %masked_cumsum3A_303, %add3A_304 : vector<16xi32>
    %mul3A_306 = arith.muli %add3A_305, %select_n3A_300 : vector<16xi32>
    %add3A_307 = arith.constant 1 : i32
    %add3A_308 = vector.broadcast %add3A_307 : i32 to vector<16xi32>
    %add3A_309 = arith.addi %mul3A_306, %add3A_308 : vector<16xi32>
    %swap3A_310 = arith.constant 144 : index
    %swap3A_311 = tpu.vector_load %arg9[%swap3A_310] {strides = array<i32>} : memref<256xi32, #tpu.memory_space<vmem>>, vector<16xi32>,
    tpu.vector_store %arg9[%swap3A_310], %add3A_309 {strides = array<i32>} : memref<256xi32, #tpu.memory_space<vmem>>, vector<16xi32>,
    %reduce_sum3A_312 = arith.constant true
    %reduce_sum3A_313 = vector.broadcast %reduce_sum3A_312 : i1 to vector<16xi1>
    %reduce_sum3A_314 = tpu.scan <sum>, %select_n3A_300 masked %reduce_sum3A_313 : vector<16xi32>, vector<16xi1> -> vector<16xi32>
    %reduce_sum3A_315 = vector.extract %reduce_sum3A_314[15] : i32 from vector<16xi32>
    %add3A_316 = arith.addi %add3A_290, %reduce_sum3A_315 : i32
    %get3A_317 = arith.constant 160 : index
    %get3A_318 = tpu.vector_load %arg8[%get3A_317] {strides = array<i32>} : memref<256xi32, #tpu.memory_space<vmem>>, vector<16xi32>,
    %ne3A_319 = arith.constant 1 : i32
    %ne3A_320 = vector.broadcast %ne3A_319 : i32 to vector<16xi32>
    %ne3A_321 = arith.cmpi ne, %get3A_318, %ne3A_320 : vector<16xi32>
    %jit3A_322 = arith.constant 1 : i32
    %jit3A_323 = arith.constant 0 : i32
    %broadcast_in_dim3A_324 = vector.broadcast %jit3A_322 : i32 to vector<16xi32>
    %broadcast_in_dim3A_325 = vector.broadcast %jit3A_323 : i32 to vector<16xi32>
    %select_n3A_326 = arith.select %ne3A_321, %broadcast_in_dim3A_324, %broadcast_in_dim3A_325 : vector<16xi1>, vector<16xi32>
    %broadcast_in_dim3A_327 = arith.constant true
    %broadcast_in_dim3A_328 = vector.broadcast %broadcast_in_dim3A_327 : i1 to vector<16xi1>
    %masked_cumsum3A_329 = tpu.scan <sum>, %select_n3A_326 masked %broadcast_in_dim3A_328 : vector<16xi32>, vector<16xi1> -> vector<16xi32>
    %add3A_330 = vector.broadcast %add3A_316 : i32 to vector<16xi32>
    %add3A_331 = arith.addi %masked_cumsum3A_329, %add3A_330 : vector<16xi32>
    %mul3A_332 = arith.muli %add3A_331, %select_n3A_326 : vector<16xi32>
    %add3A_333 = arith.constant 1 : i32
    %add3A_334 = vector.broadcast %add3A_333 : i32 to vector<16xi32>
    %add3A_335 = arith.addi %mul3A_332, %add3A_334 : vector<16xi32>
    %swap3A_336 = arith.constant 160 : index
    %swap3A_337 = tpu.vector_load %arg9[%swap3A_336] {strides = array<i32>} : memref<256xi32, #tpu.memory_space<vmem>>, vector<16xi32>,
    tpu.vector_store %arg9[%swap3A_336], %add3A_335 {strides = array<i32>} : memref<256xi32, #tpu.memory_space<vmem>>, vector<16xi32>,
    %reduce_sum3A_338 = arith.constant true
    %reduce_sum3A_339 = vector.broadcast %reduce_sum3A_338 : i1 to vector<16xi1>
    %reduce_sum3A_340 = tpu.scan <sum>, %select_n3A_326 masked %reduce_sum3A_339 : vector<16xi32>, vector<16xi1> -> vector<16xi32>
    %reduce_sum3A_341 = vector.extract %reduce_sum3A_340[15] : i32 from vector<16xi32>
    %add3A_342 = arith.addi %add3A_316, %reduce_sum3A_341 : i32
    %get3A_343 = arith.constant 176 : index
    %get3A_344 = tpu.vector_load %arg8[%get3A_343] {strides = array<i32>} : memref<256xi32, #tpu.memory_space<vmem>>, vector<16xi32>,
    %ne3A_345 = arith.constant 1 : i32
    %ne3A_346 = vector.broadcast %ne3A_345 : i32 to vector<16xi32>
    %ne3A_347 = arith.cmpi ne, %get3A_344, %ne3A_346 : vector<16xi32>
    %jit3A_348 = arith.constant 1 : i32
    %jit3A_349 = arith.constant 0 : i32
    %broadcast_in_dim3A_350 = vector.broadcast %jit3A_348 : i32 to vector<16xi32>
    %broadcast_in_dim3A_351 = vector.broadcast %jit3A_349 : i32 to vector<16xi32>
    %select_n3A_352 = arith.select %ne3A_347, %broadcast_in_dim3A_350, %broadcast_in_dim3A_351 : vector<16xi1>, vector<16xi32>
    %broadcast_in_dim3A_353 = arith.constant true
    %broadcast_in_dim3A_354 = vector.broadcast %broadcast_in_dim3A_353 : i1 to vector<16xi1>
    %masked_cumsum3A_355 = tpu.scan <sum>, %select_n3A_352 masked %broadcast_in_dim3A_354 : vector<16xi32>, vector<16xi1> -> vector<16xi32>
    %add3A_356 = vector.broadcast %add3A_342 : i32 to vector<16xi32>
    %add3A_357 = arith.addi %masked_cumsum3A_355, %add3A_356 : vector<16xi32>
    %mul3A_358 = arith.muli %add3A_357, %select_n3A_352 : vector<16xi32>
    %add3A_359 = arith.constant 1 : i32
    %add3A_360 = vector.broadcast %add3A_359 : i32 to vector<16xi32>
    %add3A_361 = arith.addi %mul3A_358, %add3A_360 : vector<16xi32>
    %swap3A_362 = arith.constant 176 : index
    %swap3A_363 = tpu.vector_load %arg9[%swap3A_362] {strides = array<i32>} : memref<256xi32, #tpu.memory_space<vmem>>, vector<16xi32>,
    tpu.vector_store %arg9[%swap3A_362], %add3A_361 {strides = array<i32>} : memref<256xi32, #tpu.memory_space<vmem>>, vector<16xi32>,
    %reduce_sum3A_364 = arith.constant true
    %reduce_sum3A_365 = vector.broadcast %reduce_sum3A_364 : i1 to vector<16xi1>
    %reduce_sum3A_366 = tpu.scan <sum>, %select_n3A_352 masked %reduce_sum3A_365 : vector<16xi32>, vector<16xi1> -> vector<16xi32>
    %reduce_sum3A_367 = vector.extract %reduce_sum3A_366[15] : i32 from vector<16xi32>
    %add3A_368 = arith.addi %add3A_342, %reduce_sum3A_367 : i32
    %get3A_369 = arith.constant 192 : index
    %get3A_370 = tpu.vector_load %arg8[%get3A_369] {strides = array<i32>} : memref<256xi32, #tpu.memory_space<vmem>>, vector<16xi32>,
    %ne3A_371 = arith.constant 1 : i32
    %ne3A_372 = vector.broadcast %ne3A_371 : i32 to vector<16xi32>
    %ne3A_373 = arith.cmpi ne, %get3A_370, %ne3A_372 : vector<16xi32>
    %jit3A_374 = arith.constant 1 : i32
    %jit3A_375 = arith.constant 0 : i32
    %broadcast_in_dim3A_376 = vector.broadcast %jit3A_374 : i32 to vector<16xi32>
    %broadcast_in_dim3A_377 = vector.broadcast %jit3A_375 : i32 to vector<16xi32>
    %select_n3A_378 = arith.select %ne3A_373, %broadcast_in_dim3A_376, %broadcast_in_dim3A_377 : vector<16xi1>, vector<16xi32>
    %broadcast_in_dim3A_379 = arith.constant true
    %broadcast_in_dim3A_380 = vector.broadcast %broadcast_in_dim3A_379 : i1 to vector<16xi1>
    %masked_cumsum3A_381 = tpu.scan <sum>, %select_n3A_378 masked %broadcast_in_dim3A_380 : vector<16xi32>, vector<16xi1> -> vector<16xi32>
    %add3A_382 = vector.broadcast %add3A_368 : i32 to vector<16xi32>
    %add3A_383 = arith.addi %masked_cumsum3A_381, %add3A_382 : vector<16xi32>
    %mul3A_384 = arith.muli %add3A_383, %select_n3A_378 : vector<16xi32>
    %add3A_385 = arith.constant 1 : i32
    %add3A_386 = vector.broadcast %add3A_385 : i32 to vector<16xi32>
    %add3A_387 = arith.addi %mul3A_384, %add3A_386 : vector<16xi32>
    %swap3A_388 = arith.constant 192 : index
    %swap3A_389 = tpu.vector_load %arg9[%swap3A_388] {strides = array<i32>} : memref<256xi32, #tpu.memory_space<vmem>>, vector<16xi32>,
    tpu.vector_store %arg9[%swap3A_388], %add3A_387 {strides = array<i32>} : memref<256xi32, #tpu.memory_space<vmem>>, vector<16xi32>,
    %reduce_sum3A_390 = arith.constant true
    %reduce_sum3A_391 = vector.broadcast %reduce_sum3A_390 : i1 to vector<16xi1>
    %reduce_sum3A_392 = tpu.scan <sum>, %select_n3A_378 masked %reduce_sum3A_391 : vector<16xi32>, vector<16xi1> -> vector<16xi32>
    %reduce_sum3A_393 = vector.extract %reduce_sum3A_392[15] : i32 from vector<16xi32>
    %add3A_394 = arith.addi %add3A_368, %reduce_sum3A_393 : i32
    %get3A_395 = arith.constant 208 : index
    %get3A_396 = tpu.vector_load %arg8[%get3A_395] {strides = array<i32>} : memref<256xi32, #tpu.memory_space<vmem>>, vector<16xi32>,
    %ne3A_397 = arith.constant 1 : i32
    %ne3A_398 = vector.broadcast %ne3A_397 : i32 to vector<16xi32>
    %ne3A_399 = arith.cmpi ne, %get3A_396, %ne3A_398 : vector<16xi32>
    %jit3A_400 = arith.constant 1 : i32
    %jit3A_401 = arith.constant 0 : i32
    %broadcast_in_dim3A_402 = vector.broadcast %jit3A_400 : i32 to vector<16xi32>
    %broadcast_in_dim3A_403 = vector.broadcast %jit3A_401 : i32 to vector<16xi32>
    %select_n3A_404 = arith.select %ne3A_399, %broadcast_in_dim3A_402, %broadcast_in_dim3A_403 : vector<16xi1>, vector<16xi32>
    %broadcast_in_dim3A_405 = arith.constant true
    %broadcast_in_dim3A_406 = vector.broadcast %broadcast_in_dim3A_405 : i1 to vector<16xi1>
    %masked_cumsum3A_407 = tpu.scan <sum>, %select_n3A_404 masked %broadcast_in_dim3A_406 : vector<16xi32>, vector<16xi1> -> vector<16xi32>
    %add3A_408 = vector.broadcast %add3A_394 : i32 to vector<16xi32>
    %add3A_409 = arith.addi %masked_cumsum3A_407, %add3A_408 : vector<16xi32>
    %mul3A_410 = arith.muli %add3A_409, %select_n3A_404 : vector<16xi32>
    %add3A_411 = arith.constant 1 : i32
    %add3A_412 = vector.broadcast %add3A_411 : i32 to vector<16xi32>
    %add3A_413 = arith.addi %mul3A_410, %add3A_412 : vector<16xi32>
    %swap3A_414 = arith.constant 208 : index
    %swap3A_415 = tpu.vector_load %arg9[%swap3A_414] {strides = array<i32>} : memref<256xi32, #tpu.memory_space<vmem>>, vector<16xi32>,
    tpu.vector_store %arg9[%swap3A_414], %add3A_413 {strides = array<i32>} : memref<256xi32, #tpu.memory_space<vmem>>, vector<16xi32>,
    %reduce_sum3A_416 = arith.constant true
    %reduce_sum3A_417 = vector.broadcast %reduce_sum3A_416 : i1 to vector<16xi1>
    %reduce_sum3A_418 = tpu.scan <sum>, %select_n3A_404 masked %reduce_sum3A_417 : vector<16xi32>, vector<16xi1> -> vector<16xi32>
    %reduce_sum3A_419 = vector.extract %reduce_sum3A_418[15] : i32 from vector<16xi32>
    %add3A_420 = arith.addi %add3A_394, %reduce_sum3A_419 : i32
    %get3A_421 = arith.constant 224 : index
    %get3A_422 = tpu.vector_load %arg8[%get3A_421] {strides = array<i32>} : memref<256xi32, #tpu.memory_space<vmem>>, vector<16xi32>,
    %ne3A_423 = arith.constant 1 : i32
    %ne3A_424 = vector.broadcast %ne3A_423 : i32 to vector<16xi32>
    %ne3A_425 = arith.cmpi ne, %get3A_422, %ne3A_424 : vector<16xi32>
    %jit3A_426 = arith.constant 1 : i32
    %jit3A_427 = arith.constant 0 : i32
    %broadcast_in_dim3A_428 = vector.broadcast %jit3A_426 : i32 to vector<16xi32>
    %broadcast_in_dim3A_429 = vector.broadcast %jit3A_427 : i32 to vector<16xi32>
    %select_n3A_430 = arith.select %ne3A_425, %broadcast_in_dim3A_428, %broadcast_in_dim3A_429 : vector<16xi1>, vector<16xi32>
    %broadcast_in_dim3A_431 = arith.constant true
    %broadcast_in_dim3A_432 = vector.broadcast %broadcast_in_dim3A_431 : i1 to vector<16xi1>
    %masked_cumsum3A_433 = tpu.scan <sum>, %select_n3A_430 masked %broadcast_in_dim3A_432 : vector<16xi32>, vector<16xi1> -> vector<16xi32>
    %add3A_434 = vector.broadcast %add3A_420 : i32 to vector<16xi32>
    %add3A_435 = arith.addi %masked_cumsum3A_433, %add3A_434 : vector<16xi32>
    %mul3A_436 = arith.muli %add3A_435, %select_n3A_430 : vector<16xi32>
    %add3A_437 = arith.constant 1 : i32
    %add3A_438 = vector.broadcast %add3A_437 : i32 to vector<16xi32>
    %add3A_439 = arith.addi %mul3A_436, %add3A_438 : vector<16xi32>
    %swap3A_440 = arith.constant 224 : index
    %swap3A_441 = tpu.vector_load %arg9[%swap3A_440] {strides = array<i32>} : memref<256xi32, #tpu.memory_space<vmem>>, vector<16xi32>,
    tpu.vector_store %arg9[%swap3A_440], %add3A_439 {strides = array<i32>} : memref<256xi32, #tpu.memory_space<vmem>>, vector<16xi32>,
    %reduce_sum3A_442 = arith.constant true
    %reduce_sum3A_443 = vector.broadcast %reduce_sum3A_442 : i1 to vector<16xi1>
    %reduce_sum3A_444 = tpu.scan <sum>, %select_n3A_430 masked %reduce_sum3A_443 : vector<16xi32>, vector<16xi1> -> vector<16xi32>
    %reduce_sum3A_445 = vector.extract %reduce_sum3A_444[15] : i32 from vector<16xi32>
    %add3A_446 = arith.addi %add3A_420, %reduce_sum3A_445 : i32
    %get3A_447 = arith.constant 240 : index
    %get3A_448 = tpu.vector_load %arg8[%get3A_447] {strides = array<i32>} : memref<256xi32, #tpu.memory_space<vmem>>, vector<16xi32>,
    %ne3A_449 = arith.constant 1 : i32
    %ne3A_450 = vector.broadcast %ne3A_449 : i32 to vector<16xi32>
    %ne3A_451 = arith.cmpi ne, %get3A_448, %ne3A_450 : vector<16xi32>
    %jit3A_452 = arith.constant 1 : i32
    %jit3A_453 = arith.constant 0 : i32
    %broadcast_in_dim3A_454 = vector.broadcast %jit3A_452 : i32 to vector<16xi32>
    %broadcast_in_dim3A_455 = vector.broadcast %jit3A_453 : i32 to vector<16xi32>
    %select_n3A_456 = arith.select %ne3A_451, %broadcast_in_dim3A_454, %broadcast_in_dim3A_455 : vector<16xi1>, vector<16xi32>
    %broadcast_in_dim3A_457 = arith.constant true
    %broadcast_in_dim3A_458 = vector.broadcast %broadcast_in_dim3A_457 : i1 to vector<16xi1>
    %masked_cumsum3A_459 = tpu.scan <sum>, %select_n3A_456 masked %broadcast_in_dim3A_458 : vector<16xi32>, vector<16xi1> -> vector<16xi32>
    %add3A_460 = vector.broadcast %add3A_446 : i32 to vector<16xi32>
    %add3A_461 = arith.addi %masked_cumsum3A_459, %add3A_460 : vector<16xi32>
    %mul3A_462 = arith.muli %add3A_461, %select_n3A_456 : vector<16xi32>
    %add3A_463 = arith.constant 1 : i32
    %add3A_464 = vector.broadcast %add3A_463 : i32 to vector<16xi32>
    %add3A_465 = arith.addi %mul3A_462, %add3A_464 : vector<16xi32>
    %swap3A_466 = arith.constant 240 : index
    %swap3A_467 = tpu.vector_load %arg9[%swap3A_466] {strides = array<i32>} : memref<256xi32, #tpu.memory_space<vmem>>, vector<16xi32>,
    tpu.vector_store %arg9[%swap3A_466], %add3A_465 {strides = array<i32>} : memref<256xi32, #tpu.memory_space<vmem>>, vector<16xi32>,
    %reduce_sum3A_468 = arith.constant true
    %reduce_sum3A_469 = vector.broadcast %reduce_sum3A_468 : i1 to vector<16xi1>
    %reduce_sum3A_470 = tpu.scan <sum>, %select_n3A_456 masked %reduce_sum3A_469 : vector<16xi32>, vector<16xi1> -> vector<16xi32>
    %reduce_sum3A_471 = vector.extract %reduce_sum3A_470[15] : i32 from vector<16xi32>
    %add3A_472 = arith.addi %add3A_446, %reduce_sum3A_471 : i32
    "tpu.region"() ({
      %run_scoped3A = tpu.sem_alloc : memref<!tpu.dma_semaphore, #tpu.memory_space<semaphore_mem>>
      tpu.enqueue_dma source(%arg5 : memref<768xf32, #tpu.memory_space<hbm>>) target(%arg13 : memref<768xf32, #tpu.memory_space<vmem>>) target_semaphore(%run_scoped3A : memref<!tpu.dma_semaphore, #tpu.memory_space<semaphore_mem>>)
      tpu.wait_dma2 semaphore(%run_scoped3A : memref<!tpu.dma_semaphore, #tpu.memory_space<semaphore_mem>>) src(%arg5 : memref<768xf32, #tpu.memory_space<hbm>>) dst(%arg13 : memref<768xf32, #tpu.memory_space<vmem>>)
      tpu.yield
    }) : () -> ()
    "tpu.region"() ({
      %run_scoped3A = tpu.sem_alloc : memref<!tpu.dma_semaphore, #tpu.memory_space<semaphore_mem>>
      tpu.enqueue_dma source(%arg6 : memref<768xf32, #tpu.memory_space<hbm>>) target(%arg14 : memref<768xf32, #tpu.memory_space<vmem>>) target_semaphore(%run_scoped3A : memref<!tpu.dma_semaphore, #tpu.memory_space<semaphore_mem>>)
      tpu.wait_dma2 semaphore(%run_scoped3A : memref<!tpu.dma_semaphore, #tpu.memory_space<semaphore_mem>>) src(%arg6 : memref<768xf32, #tpu.memory_space<hbm>>) dst(%arg14 : memref<768xf32, #tpu.memory_space<vmem>>)
      tpu.yield
    }) : () -> ()
    %iota3A = tpu.iota {dimensions = array<i32: 0>} : vector<16xi32>
    %add3A_473 = arith.constant 16 : i32
    %add3A_474 = vector.broadcast %add3A_473 : i32 to vector<16xi32>
    %add3A_475 = arith.addi %iota3A, %add3A_474 : vector<16xi32>
    %scan3A = arith.constant 0.00130208337 : f32
    %scan3A_476 = arith.constant 0 : i32
    %scan3A_477 = arith.constant 0 : i32
    %scan3A_478 = arith.constant 8 : i32
    %scan3A_479 = arith.addi %scan3A_477, %scan3A_478 : i32
    %scan3A_480 = arith.constant 1 : i32
    %scan3A_481 = scf.for %scan3A_483 = %scan3A_477 to %scan3A_479 step %scan3A_480 iter_args(%scan3A_484 = %scan3A_476) -> (i32)  : i32 {
      %mul3A_485 = arith.constant 32 : i32
      %mul3A_486 = arith.muli %scan3A_483, %mul3A_485 : i32
      %dma_start3A = tpu.memref_slice %arg8[%mul3A_486] : memref<256xi32, #tpu.memory_space<vmem>> -> memref<32xi32, #tpu.memory_space<vmem>>
      %dma_start3A_487 = arith.constant 0 : i32
      %dma_start3A_488 = arith.constant 0 : i32
      %dma_start3A_489 = tpu.memref_slice %arg3[%dma_start3A_487, %dma_start3A_488] : memref<100000x768xf32, #tpu.memory_space<hbm>> -> memref<100000x768xf32, #tpu.memory_space<hbm>>
      tpu.enqueue_indirect_dma source(%dma_start3A_489 : memref<100000x768xf32, #tpu.memory_space<hbm>>) target(%arg11 : memref<32x768xf32, #tpu.memory_space<vmem>>) offsets(%dma_start3A : memref<32xi32, #tpu.memory_space<vmem>>) semaphore(%arg15 : memref<!tpu.dma_semaphore, #tpu.memory_space<semaphore_mem>>)
      %mul3A_490 = arith.constant 32 : i32
      %mul3A_491 = arith.muli %scan3A_483, %mul3A_490 : i32
      %dma_start3A_492 = tpu.memref_slice %arg9[%mul3A_491] : memref<256xi32, #tpu.memory_space<vmem>> -> memref<32xi32, #tpu.memory_space<vmem>>
      %dma_start3A_493 = arith.constant 0 : i32
      %dma_start3A_494 = arith.constant 0 : i32
      %dma_start3A_495 = tpu.memref_slice %arg4[%dma_start3A_493, %dma_start3A_494] : memref<4096x768xf32, #tpu.memory_space<hbm>> -> memref<4096x768xf32, #tpu.memory_space<hbm>>
      tpu.enqueue_indirect_dma source(%dma_start3A_495 : memref<4096x768xf32, #tpu.memory_space<hbm>>) target(%arg12 : memref<32x768xf32, #tpu.memory_space<vmem>>) offsets(%dma_start3A_492 : memref<32xi32, #tpu.memory_space<vmem>>) semaphore(%arg16 : memref<!tpu.dma_semaphore, #tpu.memory_space<semaphore_mem>>)
      %dma_wait3A = tpu.memref_slice %arg8[%mul3A_486] : memref<256xi32, #tpu.memory_space<vmem>> -> memref<32xi32, #tpu.memory_space<vmem>>
      %dma_wait3A_496 = arith.constant 0 : i32
      %dma_wait3A_497 = arith.constant 0 : i32
      %dma_wait3A_498 = tpu.memref_slice %arg3[%dma_wait3A_496, %dma_wait3A_497] : memref<100000x768xf32, #tpu.memory_space<hbm>> -> memref<100000x768xf32, #tpu.memory_space<hbm>>
      tpu.wait_indirect_dma semaphore(%arg15 : memref<!tpu.dma_semaphore, #tpu.memory_space<semaphore_mem>>) src(%dma_wait3A_498 : memref<100000x768xf32, #tpu.memory_space<hbm>>) dst(%arg11 : memref<32x768xf32, #tpu.memory_space<vmem>>)
      %dma_wait3A_499 = tpu.memref_slice %arg9[%mul3A_491] : memref<256xi32, #tpu.memory_space<vmem>> -> memref<32xi32, #tpu.memory_space<vmem>>
      %dma_wait3A_500 = arith.constant 0 : i32
      %dma_wait3A_501 = arith.constant 0 : i32
      %dma_wait3A_502 = tpu.memref_slice %arg4[%dma_wait3A_500, %dma_wait3A_501] : memref<4096x768xf32, #tpu.memory_space<hbm>> -> memref<4096x768xf32, #tpu.memory_space<hbm>>
      tpu.wait_indirect_dma semaphore(%arg16 : memref<!tpu.dma_semaphore, #tpu.memory_space<semaphore_mem>>) src(%dma_wait3A_502 : memref<4096x768xf32, #tpu.memory_space<hbm>>) dst(%arg12 : memref<32x768xf32, #tpu.memory_space<vmem>>)
      %broadcast_in_dim3A_503 = arith.constant 0.000000e+00 : f32
      %broadcast_in_dim3A_504 = vector.broadcast %broadcast_in_dim3A_503 : f32 to vector<16xf32>
      %scan3A_505 = arith.constant 0 : i32
      %scan3A_506 = arith.constant 768 : i32
      %scan3A_507 = arith.addi %scan3A_505, %scan3A_506 : i32
      %scan3A_508 = arith.constant 1 : i32
      %scan3A_509:4 = scf.for %scan3A_607 = %scan3A_505 to %scan3A_507 step %scan3A_508 iter_args(%scan3A_608 = %broadcast_in_dim3A_504, %scan3A_609 = %broadcast_in_dim3A_504, %scan3A_610 = %broadcast_in_dim3A_504, %scan3A_611 = %broadcast_in_dim3A_504) -> (vector<16xf32>, vector<16xf32>, vector<16xf32>, vector<16xf32>)  : i32 {
        %broadcast_in_dim3A_612 = vector.broadcast %scan3A_607 : i32 to vector<16xi32>
        %gather3A = tpu.vector_load_idx %arg11[%iota3A, %broadcast_in_dim3A_612] : memref<32x768xf32, #tpu.memory_space<vmem>>[vector<16xi32>, vector<16xi32>], vector<16xf32>,
        %gather3A_613 = tpu.vector_load_idx %arg12[%iota3A, %broadcast_in_dim3A_612] : memref<32x768xf32, #tpu.memory_space<vmem>>[vector<16xi32>, vector<16xi32>], vector<16xf32>,
        %add3A_614 = arith.addf %gather3A, %gather3A_613 : vector<16xf32>
        tpu.vector_store_idx %arg11[%iota3A, %broadcast_in_dim3A_612], %add3A_614 : memref<32x768xf32, #tpu.memory_space<vmem>>[vector<16xi32>, vector<16xi32>], vector<16xf32>,
        %gather3A_615 = tpu.vector_load_idx %arg11[%add3A_475, %broadcast_in_dim3A_612] : memref<32x768xf32, #tpu.memory_space<vmem>>[vector<16xi32>, vector<16xi32>], vector<16xf32>,
        %gather3A_616 = tpu.vector_load_idx %arg12[%add3A_475, %broadcast_in_dim3A_612] : memref<32x768xf32, #tpu.memory_space<vmem>>[vector<16xi32>, vector<16xi32>], vector<16xf32>,
        %add3A_617 = arith.addf %gather3A_615, %gather3A_616 : vector<16xf32>
        tpu.vector_store_idx %arg11[%add3A_475, %broadcast_in_dim3A_612], %add3A_617 : memref<32x768xf32, #tpu.memory_space<vmem>>[vector<16xi32>, vector<16xi32>], vector<16xf32>,
        %add3A_618 = arith.addf %scan3A_608, %add3A_614 : vector<16xf32>
        %mul3A_619 = arith.mulf %add3A_614, %add3A_614 : vector<16xf32>
        %add3A_620 = arith.addf %scan3A_609, %mul3A_619 : vector<16xf32>
        %add3A_621 = arith.addf %scan3A_610, %add3A_617 : vector<16xf32>
        %mul3A_622 = arith.mulf %add3A_617, %add3A_617 : vector<16xf32>
        %add3A_623 = arith.addf %scan3A_611, %mul3A_622 : vector<16xf32>
        scf.yield %add3A_618, %add3A_620, %add3A_621, %add3A_623 : vector<16xf32>, vector<16xf32>, vector<16xf32>, vector<16xf32>
      }
      %scan3A_510 = arith.constant 768 : i32
      %mul3A_511 = vector.broadcast %scan3A : f32 to vector<16xf32>
      %mul3A_512 = arith.mulf %scan3A_509#0, %mul3A_511 : vector<16xf32>
      %mul3A_513 = vector.broadcast %scan3A : f32 to vector<16xf32>
      %mul3A_514 = arith.mulf %scan3A_509#2, %mul3A_513 : vector<16xf32>
      %mul3A_515 = vector.broadcast %scan3A : f32 to vector<16xf32>
      %mul3A_516 = arith.mulf %scan3A_509#1, %mul3A_515 : vector<16xf32>
      %mul3A_517 = arith.mulf %mul3A_512, %mul3A_512 : vector<16xf32>
      %sub3A_518 = arith.subf %mul3A_516, %mul3A_517 : vector<16xf32>
      %add3A_519 = arith.constant 9.99999996E-13 : f32
      %add3A_520 = vector.broadcast %add3A_519 : f32 to vector<16xf32>
      %add3A_521 = arith.addf %sub3A_518, %add3A_520 : vector<16xf32>
      %bitcast3A = vector.bitcast %add3A_521 : vector<16xf32> to vector<16xi32>
      %shift_right_arithmetic3A = arith.constant 1 : i32
      %shift_right_arithmetic3A_522 = vector.broadcast %shift_right_arithmetic3A : i32 to vector<16xi32>
      %shift_right_arithmetic3A_523 = arith.shrsi %bitcast3A, %shift_right_arithmetic3A_522 : vector<16xi32>
      %sub3A_524 = arith.constant 1597463007 : i32
      %sub3A_525 = vector.broadcast %sub3A_524 : i32 to vector<16xi32>
      %sub3A_526 = arith.subi %sub3A_525, %shift_right_arithmetic3A_523 : vector<16xi32>
      %bitcast3A_527 = vector.bitcast %sub3A_526 : vector<16xi32> to vector<16xf32>
      %mul3A_528 = arith.constant 5.000000e-01 : f32
      %mul3A_529 = vector.broadcast %mul3A_528 : f32 to vector<16xf32>
      %mul3A_530 = arith.mulf %mul3A_529, %add3A_521 : vector<16xf32>
      %mul3A_531 = arith.mulf %mul3A_530, %bitcast3A_527 : vector<16xf32>
      %mul3A_532 = arith.mulf %mul3A_531, %bitcast3A_527 : vector<16xf32>
      %sub3A_533 = arith.constant 1.500000e+00 : f32
      %sub3A_534 = vector.broadcast %sub3A_533 : f32 to vector<16xf32>
      %sub3A_535 = arith.subf %sub3A_534, %mul3A_532 : vector<16xf32>
      %mul3A_536 = arith.mulf %bitcast3A_527, %sub3A_535 : vector<16xf32>
      %mul3A_537 = arith.constant 5.000000e-01 : f32
      %mul3A_538 = vector.broadcast %mul3A_537 : f32 to vector<16xf32>
      %mul3A_539 = arith.mulf %mul3A_538, %add3A_521 : vector<16xf32>
      %mul3A_540 = arith.mulf %mul3A_539, %mul3A_536 : vector<16xf32>
      %mul3A_541 = arith.mulf %mul3A_540, %mul3A_536 : vector<16xf32>
      %sub3A_542 = arith.constant 1.500000e+00 : f32
      %sub3A_543 = vector.broadcast %sub3A_542 : f32 to vector<16xf32>
      %sub3A_544 = arith.subf %sub3A_543, %mul3A_541 : vector<16xf32>
      %mul3A_545 = arith.mulf %mul3A_536, %sub3A_544 : vector<16xf32>
      %mul3A_546 = arith.constant 5.000000e-01 : f32
      %mul3A_547 = vector.broadcast %mul3A_546 : f32 to vector<16xf32>
      %mul3A_548 = arith.mulf %mul3A_547, %add3A_521 : vector<16xf32>
      %mul3A_549 = arith.mulf %mul3A_548, %mul3A_545 : vector<16xf32>
      %mul3A_550 = arith.mulf %mul3A_549, %mul3A_545 : vector<16xf32>
      %sub3A_551 = arith.constant 1.500000e+00 : f32
      %sub3A_552 = vector.broadcast %sub3A_551 : f32 to vector<16xf32>
      %sub3A_553 = arith.subf %sub3A_552, %mul3A_550 : vector<16xf32>
      %mul3A_554 = arith.mulf %mul3A_545, %sub3A_553 : vector<16xf32>
      %mul3A_555 = vector.broadcast %scan3A : f32 to vector<16xf32>
      %mul3A_556 = arith.mulf %scan3A_509#3, %mul3A_555 : vector<16xf32>
      %mul3A_557 = arith.mulf %mul3A_514, %mul3A_514 : vector<16xf32>
      %sub3A_558 = arith.subf %mul3A_556, %mul3A_557 : vector<16xf32>
      %add3A_559 = arith.constant 9.99999996E-13 : f32
      %add3A_560 = vector.broadcast %add3A_559 : f32 to vector<16xf32>
      %add3A_561 = arith.addf %sub3A_558, %add3A_560 : vector<16xf32>
      %bitcast3A_562 = vector.bitcast %add3A_561 : vector<16xf32> to vector<16xi32>
      %shift_right_arithmetic3A_563 = arith.constant 1 : i32
      %shift_right_arithmetic3A_564 = vector.broadcast %shift_right_arithmetic3A_563 : i32 to vector<16xi32>
      %shift_right_arithmetic3A_565 = arith.shrsi %bitcast3A_562, %shift_right_arithmetic3A_564 : vector<16xi32>
      %sub3A_566 = arith.constant 1597463007 : i32
      %sub3A_567 = vector.broadcast %sub3A_566 : i32 to vector<16xi32>
      %sub3A_568 = arith.subi %sub3A_567, %shift_right_arithmetic3A_565 : vector<16xi32>
      %bitcast3A_569 = vector.bitcast %sub3A_568 : vector<16xi32> to vector<16xf32>
      %mul3A_570 = arith.constant 5.000000e-01 : f32
      %mul3A_571 = vector.broadcast %mul3A_570 : f32 to vector<16xf32>
      %mul3A_572 = arith.mulf %mul3A_571, %add3A_561 : vector<16xf32>
      %mul3A_573 = arith.mulf %mul3A_572, %bitcast3A_569 : vector<16xf32>
      %mul3A_574 = arith.mulf %mul3A_573, %bitcast3A_569 : vector<16xf32>
      %sub3A_575 = arith.constant 1.500000e+00 : f32
      %sub3A_576 = vector.broadcast %sub3A_575 : f32 to vector<16xf32>
      %sub3A_577 = arith.subf %sub3A_576, %mul3A_574 : vector<16xf32>
      %mul3A_578 = arith.mulf %bitcast3A_569, %sub3A_577 : vector<16xf32>
      %mul3A_579 = arith.constant 5.000000e-01 : f32
      %mul3A_580 = vector.broadcast %mul3A_579 : f32 to vector<16xf32>
      %mul3A_581 = arith.mulf %mul3A_580, %add3A_561 : vector<16xf32>
      %mul3A_582 = arith.mulf %mul3A_581, %mul3A_578 : vector<16xf32>
      %mul3A_583 = arith.mulf %mul3A_582, %mul3A_578 : vector<16xf32>
      %sub3A_584 = arith.constant 1.500000e+00 : f32
      %sub3A_585 = vector.broadcast %sub3A_584 : f32 to vector<16xf32>
      %sub3A_586 = arith.subf %sub3A_585, %mul3A_583 : vector<16xf32>
      %mul3A_587 = arith.mulf %mul3A_578, %sub3A_586 : vector<16xf32>
      %mul3A_588 = arith.constant 5.000000e-01 : f32
      %mul3A_589 = vector.broadcast %mul3A_588 : f32 to vector<16xf32>
      %mul3A_590 = arith.mulf %mul3A_589, %add3A_561 : vector<16xf32>
      %mul3A_591 = arith.mulf %mul3A_590, %mul3A_587 : vector<16xf32>
      %mul3A_592 = arith.mulf %mul3A_591, %mul3A_587 : vector<16xf32>
      %sub3A_593 = arith.constant 1.500000e+00 : f32
      %sub3A_594 = vector.broadcast %sub3A_593 : f32 to vector<16xf32>
      %sub3A_595 = arith.subf %sub3A_594, %mul3A_592 : vector<16xf32>
      %mul3A_596 = arith.mulf %mul3A_587, %sub3A_595 : vector<16xf32>
      %scan3A_597 = arith.constant 0 : i32
      %scan3A_598 = arith.constant 0 : i32
      %scan3A_599 = arith.constant 768 : i32
      %scan3A_600 = arith.addi %scan3A_598, %scan3A_599 : i32
      %scan3A_601 = arith.constant 1 : i32
      scf.for %scan3A_607 = %scan3A_598 to %scan3A_600 step %scan3A_601  : i32 {
        %broadcast_in_dim3A_608 = vector.broadcast %scan3A_607 : i32 to vector<16xi32>
        %gather3A = tpu.vector_load_idx %arg13[%broadcast_in_dim3A_608] : memref<768xf32, #tpu.memory_space<vmem>>[vector<16xi32>], vector<16xf32>,
        %gather3A_609 = tpu.vector_load_idx %arg14[%broadcast_in_dim3A_608] : memref<768xf32, #tpu.memory_space<vmem>>[vector<16xi32>], vector<16xf32>,
        %gather3A_610 = tpu.vector_load_idx %arg11[%iota3A, %broadcast_in_dim3A_608] : memref<32x768xf32, #tpu.memory_space<vmem>>[vector<16xi32>, vector<16xi32>], vector<16xf32>,
        %sub3A_611 = arith.subf %gather3A_610, %mul3A_512 : vector<16xf32>
        %mul3A_612 = arith.mulf %sub3A_611, %mul3A_554 : vector<16xf32>
        %mul3A_613 = arith.mulf %mul3A_612, %gather3A : vector<16xf32>
        %add3A_614 = arith.addf %mul3A_613, %gather3A_609 : vector<16xf32>
        tpu.vector_store_idx %arg12[%iota3A, %broadcast_in_dim3A_608], %add3A_614 : memref<32x768xf32, #tpu.memory_space<vmem>>[vector<16xi32>, vector<16xi32>], vector<16xf32>,
        %gather3A_615 = tpu.vector_load_idx %arg11[%add3A_475, %broadcast_in_dim3A_608] : memref<32x768xf32, #tpu.memory_space<vmem>>[vector<16xi32>, vector<16xi32>], vector<16xf32>,
        %sub3A_616 = arith.subf %gather3A_615, %mul3A_514 : vector<16xf32>
        %mul3A_617 = arith.mulf %sub3A_616, %mul3A_596 : vector<16xf32>
        %mul3A_618 = arith.mulf %mul3A_617, %gather3A : vector<16xf32>
        %add3A_619 = arith.addf %mul3A_618, %gather3A_609 : vector<16xf32>
        tpu.vector_store_idx %arg12[%add3A_475, %broadcast_in_dim3A_608], %add3A_619 : memref<32x768xf32, #tpu.memory_space<vmem>>[vector<16xi32>, vector<16xi32>], vector<16xf32>,
      }
      %scan3A_602 = arith.constant 768 : i32
      %mul3A_603 = arith.constant 32 : i32
      %mul3A_604 = arith.muli %scan3A_483, %mul3A_603 : i32
      %add3A_605 = arith.addi %mul3A_2, %mul3A_604 : i32
      "tpu.region"() ({
        %run_scoped3A = tpu.sem_alloc : memref<!tpu.dma_semaphore, #tpu.memory_space<semaphore_mem>>
        %dma_start3A_607 = arith.constant 0 : i32
        %dma_start3A_608 = tpu.memref_slice %arg7[%add3A_605, %dma_start3A_607] : memref<8192x768xf32, #tpu.memory_space<hbm>> -> memref<32x768xf32, #tpu.memory_space<hbm>>
        %dma_start3A_609 = arith.constant 0 : i32
        %dma_start3A_610 = tpu.memref_slice %arg7[%add3A_605, %dma_start3A_609] : memref<8192x768xf32, #tpu.memory_space<hbm>> -> memref<32x768xf32, #tpu.memory_space<hbm>>
        tpu.enqueue_dma source(%arg12 : memref<32x768xf32, #tpu.memory_space<vmem>>) target(%dma_start3A_610 : memref<32x768xf32, #tpu.memory_space<hbm>>) target_semaphore(%run_scoped3A : memref<!tpu.dma_semaphore, #tpu.memory_space<semaphore_mem>>)
        %dma_wait3A_611 = arith.constant 0 : i32
        %dma_wait3A_612 = tpu.memref_slice %arg7[%add3A_605, %dma_wait3A_611] : memref<8192x768xf32, #tpu.memory_space<hbm>> -> memref<32x768xf32, #tpu.memory_space<hbm>>
        %dma_wait3A_613 = arith.constant 0 : i32
        %dma_wait3A_614 = tpu.memref_slice %arg7[%add3A_605, %dma_wait3A_613] : memref<8192x768xf32, #tpu.memory_space<hbm>> -> memref<32x768xf32, #tpu.memory_space<hbm>>
        tpu.wait_dma2 semaphore(%run_scoped3A : memref<!tpu.dma_semaphore, #tpu.memory_space<semaphore_mem>>) src(%arg12 : memref<32x768xf32, #tpu.memory_space<vmem>>) dst(%dma_wait3A_614 : memref<32x768xf32, #tpu.memory_space<hbm>>)
        tpu.yield
      }) : () -> ()
      %scan3A_606 = arith.constant 0 : i32
      scf.yield %scan3A_606 : i32
    }
    %scan3A_482 = arith.constant 8 : i32
    return
  }
}

</mosaic_0001>

<sc_bundles>
// kernel: _run.3.cloned.1.call-start
scs
__scs_entry_jumppad:
0x0: {  	(pc) =	sbr.rel $0x88, $3  }
0x1: {  	(tag) =	ssettag $0x0;
	lr =	simm.s32 $0x1  }
0x2: {  	[smem:$0x3F9C] =	sst lr;
	_ =	strace $0xD0000000  }
0x3: {  	_ = 	snop  }
0x4: {  	_ = 	snop  }
0x5: {  	_ = 	snop  }
0x6: {  	_ = 	snop  }
0x7: {  	_ = 	snop  }
__scs_overlays_trampoline_lowered:
0x8: {  	[smem:$0x3FAB] =	sst s0  }
0x9: {  	[smem:$0x3FAC] =	sst s1  }
0xa: {  	[smem:$0x3FAD] =	sst s2  }
0xb: {  	[smem:$0x3FAE] =	sst s3  }
0xc: {  	[smem:$0x3FAF] =	sst s4  }
0xd: {  	[smem:$0x3FB0] =	sst s5  }
0xe: {  	[smem:$0x3FB1] =	sst s6  }
0xf: {  	[smem:$0x3FB2] =	sst s7  }
0x10: {  	[smem:$0x3FB3] =	sst s8  }
0x11: {  	[smem:$0x3FB4] =	sst s9;
	s0 =	simm.s32 @!p0 $0x0  }
0x12: {  	s1 =	sld [smem:$0x3F9A];
	s0 =	simm.s32 @p0 $0x1  }
0x13: {  	[smem:$0x3FB5] =	sst s0;
	s0 =	simm.s32 @!p1 $0x0  }
0x14: {  	s2 =	sld [smem:$0x3F99];
	s0 =	simm.s32 @p1 $0x1  }
0x15: {  	[smem:$0x3FB6] =	sst s0;
	s0 =	simm.s32 @!p2 $0x0  }
0x16: {  	s3 =	sld [smem:$0x3FDB];
	s0 =	simm.s32 @p2 $0x1  }
0x17: {  	s4 =	simm.s32 $0x1BF5;
	[smem:$0x3FB8] =	sst s0  }
0x18: {  	s0 =	sld [smem:$0x3F9B];
	_ =	swait.ge [sflag:s4], $0x0  }
0x19: {  	s7 =	sld [smem:$0x3F9C]  }
0x1a: {  	s8 =	sadd.s32 $0xFFFFE003, lr  }
0x1b: {  	s9 =	sadd.s32 $0xFFFFFEF7, lr;
	s5 =	simm.s32 $0xFFFFFFFF;
	p2 =	slt.u32 s8, $0xFFFFF086  }
0x1c: {  	p1 =	slt.u32 s9, $0xF7A;
	s5 =	simm.s32 @!p2 $0x0  }
0x1d: {  	s5 =	simm.s32 @p1 $0x1;
	p0 =	seq.s32 s7, s2  }
0x1e: {  	s7 =	smul.u32 @!p0 $0xF7A, s2;
	p2 =	seq.s32 @!p0 s5, $0x0  }
0x1f: {  	s9 =	smul.u32 $0xF7A, s1;
	s8 =	simm.s32 @!p0 $0x1BF5;
	p2 =	por !p2, p0  }
0x20: {  	[sflag:s8] =	ssyncset.s32 @!p0 $0xFFFFF086;
	s6 =	sadd.s32 @!p0 s3, s7;
	s7 =	simm.s32 @!p0 $0x108  }
0x21: {  	s3 =	sadd.s32 s3, s9;
	s6 =	sadd.s32 @!p0 $0x88, s6;
	s7 =	simm.s32 @p2 $0x1082  }
0x22: {  	[simem:s7], [sflag:s8] =	dma.local @!p0 [hbm:s6], $0xF7A  }
0x23: {  	s9 =	sor.u32 $0xD0000000, s2;
	s6 =	simm.s32 $0x108;
	_ =	swait.ge @!p0 [sflag:s8], $0x0  }
0x24: {  	s3 =	sadd.s32 $0x88, s3;
	s6 =	simm.s32 @!p1 $0x1082;
	[sflag:s4] =	ssyncset.s32 $0xFFFFF086  }
0x25: {  	[simem:s6], [sflag:s4] =	dma.local [hbm:s3], $0xF7A  }
0x26: {  	[smem:$0x3F9C] =	sst s1;
	(tag) =	ssettag s2;
	_ =	strace s9  }
0x27: {  	s1 =	sld [smem:$0x3FAC]  }
0x28: {  	s2 =	sld [smem:$0x3FAD]  }
0x29: {  	s4 =	sld [smem:$0x3FAF]  }
0x2a: {  	p0 =	seq.s32 s5, $0x0;
	s5 =	sld [smem:$0x3FB0]  }
0x2b: {  	s6 =	sld [smem:$0x3FB1]  }
0x2c: {  	s7 =	sld [smem:$0x3FB2]  }
0x2d: {  	s3 =	simm.s32 $0x108;
	s8 =	sld [smem:$0x3FB3]  }
0x2e: {  	s3 =	simm.s32 @!p0 $0x1082;
	s9 =	sld [smem:$0x3FB4]  }
0x2f: {  	lr =	sadd.s32 s0, s3;
	s0 =	sld [smem:$0x3FAB]  }
0x30: {  	s3 =	sld [smem:$0x3FAE]  }
0x31: {  	[smem:$0x3FB7] =	sst s10  }
0x32: {  	s10 =	sld [smem:$0x3FB5];
	_ =	sdelay $0x3  }
0x33: {  	p0 =	seq.s32 s10, $0x1;
	s10 =	sld [smem:$0x3FB7];
	_ =	sdelay $0x3  }
0x34: {  	[smem:$0x3FB7] =	sst s10  }
0x35: {  	s10 =	sld [smem:$0x3FB6];
	_ =	sdelay $0x3  }
0x36: {  	p1 =	seq.s32 s10, $0x1;
	s10 =	sld [smem:$0x3FB7];
	_ =	sdelay $0x3  }
0x37: {  	[smem:$0x3FB7] =	sst s10  }
0x38: {  	s10 =	sld [smem:$0x3FB8]  }
0x39: {  	_ = 	snop;
	(pc) =	sbr.ind lr, $3  }
0x3a: {  	_ = 	snop  }
0x3b: {  	_ = 	snop  }
0x3c: {  	p2 =	seq.s32 s10, $0x1;
	s10 =	sld [smem:$0x3FB7]  }
0x3d: {  	_ =	shalt  }
0x3e: {  	_ =	shalt  }
0x3f: {  	_ =	shalt  }
0x40: {  	_ =	shalt  }
0x41: {  	_ =	shalt  }
0x42: {  	_ =	shalt  }
0x43: {  	_ =	shalt  }
0x44: {  	_ =	shalt  }
0x45: {  	_ =	shalt  }
0x46: {  	_ =	shalt  }
0x47: {  	_ =	shalt  }
0x48: {  	_ =	shalt  }
0x49: {  	_ =	shalt  }
0x4a: {  	_ =	shalt  }
0x4b: {  	_ =	shalt  }
0x4c: {  	_ =	shalt  }
0x4d: {  	_ =	shalt  }
0x4e: {  	_ =	shalt  }
0x4f: {  	_ =	shalt  }
0x50: {  	_ =	shalt  }
0x51: {  	_ =	shalt  }
0x52: {  	_ =	shalt  }
0x53: {  	_ =	shalt  }
0x54: {  	_ =	shalt  }
0x55: {  	_ =	shalt  }
0x56: {  	_ =	shalt  }
0x57: {  	_ =	shalt  }
0x58: {  	_ =	shalt  }
0x59: {  	_ =	shalt  }
0x5a: {  	_ =	shalt  }
0x5b: {  	_ =	shalt  }
0x5c: {  	_ =	shalt  }
0x5d: {  	_ =	shalt  }
0x5e: {  	_ =	shalt  }
0x5f: {  	_ =	shalt  }
0x60: {  	_ =	shalt  }
0x61: {  	_ =	shalt  }
0x62: {  	_ =	shalt  }
0x63: {  	_ =	shalt  }
0x64: {  	_ =	shalt  }
0x65: {  	_ =	shalt  }
0x66: {  	_ =	shalt  }
0x67: {  	_ =	shalt  }
0x68: {  	_ =	shalt  }
0x69: {  	_ =	shalt  }
0x6a: {  	_ =	shalt  }
0x6b: {  	_ =	shalt  }
0x6c: {  	_ =	shalt  }
0x6d: {  	_ =	shalt  }
0x6e: {  	_ =	shalt  }
0x6f: {  	_ =	shalt  }
0x70: {  	_ =	shalt  }
0x71: {  	_ =	shalt  }
0x72: {  	_ =	shalt  }
0x73: {  	_ =	shalt  }
0x74: {  	_ =	shalt  }
0x75: {  	_ =	shalt  }
0x76: {  	_ =	shalt  }
0x77: {  	_ =	shalt  }
0x78: {  	_ =	shalt  }
0x79: {  	_ =	shalt  }
0x7a: {  	_ =	shalt  }
0x7b: {  	_ =	shalt  }
0x7c: {  	_ =	shalt  }
0x7d: {  	_ =	shalt  }
0x7e: {  	_ =	shalt  }
0x7f: {  	_ =	shalt  }
0x80: {  	_ =	shalt  }
0x81: {  	_ =	shalt  }
0x82: {  	_ =	shalt  }
0x83: {  	_ =	shalt  }
0x84: {  	_ =	shalt  }
0x85: {  	_ =	shalt  }
0x86: {  	_ =	shalt  }
0x87: {  	_ =	shalt  }
.Lfunc_end0:
.L_simem_size_0:
called_computation_lowered:
.L_overlay_start_0:
0x88: {  	s2 =	sld [smem:$0x3FD9]  }
0x89: {  	s3 =	sld [smem:$0x3FFE];
	_ =	sdelay $0x1  }
0x8a: {  	s1 =	srdreg.scid  }
0x8b: {  	s0 =	sand.u32 $0x1, s1  }
0x8c: {  	s18 =	sshll.u32 s0, $0xA;
	s2 =	sadd.s32 s3, s2  }
0x8d: {  	s2 =	sadd.s32 s2, s18  }
0x8e: {  	[smem:$0x3FC3] =	sst s2  }
0x8f: {  	_ = 	snop  }
0x90: {  	s2 =	sld [smem:$0x3FC9]  }
0x91: {  	s19 =	sld [smem:$0x3FC8]  }
0x92: {  	s4 =	sld [smem:$0x3FC7]  }
0x93: {  	s5 =	sld [smem:$0x3FC6]  }
0x94: {  	s6 =	sld [smem:$0x3FC5]  }
0x95: {  	s7 =	sld [smem:$0x3FD0];
	(tm) =	ssettm $0x1  }
0x96: {  	s8 =	sld [smem:$0x3FFB];
	_ =	sdelay $0x3  }
0x97: {  	_ =	strace s8  }
0x98: {  	s8 =	sld [smem:$0x3FFC];
	_ =	sdelay $0x3  }
0x99: {  	_ =	strace s8  }
0x9a: {  	s8 =	sld [smem:$0x3FFD];
	_ =	sdelay $0x3  }
0x9b: {  	_ =	strace s8  }
0x9c: {  	_ =	strace $0x8FFFFFFF  }
0x9d: {  	s20 =	sld [smem:$0x3FDB];
	_ =	sdelay $0x1  }
0x9e: {  	s9 =	simm.s32 $_scs_section_size  }
0x9f: {  	s10 =	simm.s32 $_size__tile_overlayer_lowered;
	s11 =	simm.s32 $_tile_overlayer_lowered  }
0xa0: {  	s23 =	simm.s32 $0x1BFF;
	s22 =	sshll.u32 s11, $0x1;
	s8 =	sadd.s32 s9, s20  }
0xa1: {  	s12 =	simm.s32 $0x0;
	s21 =	sshll.u32 s10, $0x1;
	s10 =	sadd.s32 s22, s8  }
0xa2: {  	[timem:s12], [sflag:s23] =	dma.local [hbm:s10], s21  }
0xa3: {  	_ =	swait.ge [sflag:s23], s21  }
0xa4: {  	s9 =	ssub.s32 $0x0, s21;
	[sflag:s23] =	ssyncset.done $0x0  }
0xa5: {  	[sflag:s23] =	ssyncadd.s32 s9;
	_ =	sdelay $0x1  }
0xa6: {  	s24 =	simm.s32 $0x1B8B  }
0xa7: {  	_ =	swait.ge [sflag:s24], $0x1  }
0xa8: {  	[sflag:s24] =	ssyncset.done $0x0  }
0xa9: {  	s25 =	simm.s32 $0x1B8E;
	[sflag:s24] =	ssyncadd.s32 $0xFFFFFFFF  }
0xaa: {  	s26 =	simm.s32 $execute0_lowered;
	[smem:$0x3FD2] =	sst s25  }
0xab: {  	s9 =	sshll.u32 s26, $0x1;
	_ =	strace $0x80000046;
	[dreg:$0x1] =	wrdreg $0xFFFFFFFF  }
0xac: {  	s28 =	simm.s32 $_size_execute0_lowered;
	s8 =	sadd.s32 s8, s9;
	[dreg:$0x0] =	wrdreg $0x0  }
0xad: {  	s9 =	sshll.u32 s28, $0x1;
	[dreg:$0x2] =	wrdreg s8  }
0xae: {  	[dreg:$0x3] =	wrdreg s9  }
0xaf: {  	[dreg:$0x4] =	wrdreg $0xC0  }
0xb0: {  	_ =	task [dreg:s12], $0x5FFFF  }
0xb1: {  	[dreg:$0x1] =	wrdreg $0xFFFFFFFF  }
0xb2: {  	[dreg:$0x0] =	wrdreg $0x60  }
0xb3: {  	[dreg:$0x2] =	wrdreg s2  }
0xb4: {  	[dreg:$0x3] =	wrdreg s19  }
0xb5: {  	[dreg:$0x4] =	wrdreg s4  }
0xb6: {  	[dreg:$0x5] =	wrdreg s5  }
0xb7: {  	[dreg:$0x6] =	wrdreg s6  }
0xb8: {  	[dreg:$0x7] =	wrdreg s7  }
0xb9: {  	[dreg:$0x8] =	wrdreg $0x9  }
0xba: {  	_ =	task.clear_ibuf [dreg:s12], $0x9FFFF;
	_ =	strace $0x90000046  }
0xbb: {  	s29 =	simm.s32 $0x9;
	_ =	strace $0x80000048  }
0xbc: {  	_ =	swait.ge [sflag:s29], $0x1  }
0xbd: {  	[sflag:s29] =	ssyncadd.s32 $0xFFFFFFFF  }
0xbe: {  	_ =	strace $0x90000048  }
0xbf: {  	_ =	sfence  }
0xc0: {  	s30 =	sld [smem:$0x0];
	_ =	sdelay $0x2  }
0xc1: {  	s31 =	sshll.u32 s1, $0xD;
	s1 =	sshrl.u32 s1, $0x2  }
0xc2: {  	s3 =	sand.u32 $0x4000, s31;
	s1 =	sadd.s32 s1, s30  }
0xc3: {  	s0 =	sor.u32 s3, s0;
	s1 =	sshll.u32 s1, $0x11  }
0xc4: {  	s0 =	sor.u32 s1, s0  }
0xc5: {  	s0 =	sadd.s32 $0x8F2B, s0  }
0xc6: {  	[sflag:s0] =	ssyncadd.remote.s32 $0x1  }
0xc7: {  	_ =	sfence.sel $0xFFFF  }
0xc8: {  	[dreg:$0x0] =	wrdreg $0xFFFFFFFF;
	(pc) =	sbr.abs _section_cstart, $3  }
0xc9: {  	[dreg:$0x1] =	wrdreg $0xFFFFFFFF  }
0xca: {  	_ =	task.clear_ibuf [dreg:s12], $0x2FFFF;
	_ =	strace $0x9FFFFFFF  }
0xcb: {  	(tm) =	ssettm $0x7FFFFFFF  }
tec
execute0_lowered:
.L_overlay_start_1:
0x0: {  	(tag) =	ssettag $0x1  }
0x1: {  	s0 =	srdreg.scid  }
0x2: {  	s4 =	stileid.u32;
	s1 =	rddreg [dreg:$0x0]  }
0x3: {  	s2 =	rddreg [dreg:$0x1];
	s9 =	simm.s32 $0x0;
	s18 =	simm.s32 $0x3  }
0x4: {  	v3 =	vlaneseq.u32;
	v0 =	vimm.s32 $0x0;
	s19 =	simm.s32 $0x200;
	s20 =	simm.s32 $0xC300;
	s21 =	simm.s32 $0xC600  }
0x5: {  	v4 =	vimm.s32 $0x1B80;
	vm0 =	vcmask $0x300;
	v5 =	vimm.s32 $0x4B80;
	s22 =	simm.s32 $0x300;
	s17 =	simm.s32 $0x7B00;
	s23 =	simm.s32 $0x9300  }
0x6: {  	vm1 =	vcmask $0x704;
	vm15 =	vcmask $0xB08;
	vm4 =	vcmask $0xF0C;
	s24 =	simm.s32 $0x9B00;
	s28 =	simm.s32 $0xB300;
	s29 =	simm.s32 $0xBB00  }
0x7: {  	vm5 =	vcmask $0x1310;
	s30 =	simm.s32 $0x1;
	s31 =	simm.s32 $0x2;
	s0 =	sand.u32 $0x1, s0;
	v4 =	vsel vm0, $0x0, v4;
	v5 =	vsel vm0, $0x3000, v5  }
0x8: {  	vm6 =	vcmask $0x1714;
	s6 =	sshll.u32 s4, $0x8;
	s7 =	sand.u32 $0x7, s4;
	s4 =	rddreg [dreg:$0x2];
	v4 =	vsel vm1, $0x80, v4;
	v5 =	vsel vm1, $0x3080, v5  }
0x9: {  	vm7 =	vcmask $0x1B18;
	[smem:$0x7FF] =	sst s9;
	s12 =	sadd.s32 $0x100, s2;
	s13 =	sadd.s32 $0x200, s2;
	v4 =	vsel vm15, $0x100, v4;
	v5 =	vsel vm15, $0x3100, v5  }
0xa: {  	vm8 =	vcmask $0x1F1C;
	s5 =	sshll.u32 s0, $0xC;
	p1 =	sne.s32 s7, $0x0;
	s7 =	simm.s32 $0xFFFFFFFF;
	v4 =	vsel vm4, $0x180, v4;
	v5 =	vsel vm4, $0x3180, v5  }
0xb: {  	vm9 =	vcmask $0x2320;
	s0 =	ssub.s32 $0x2, s0;
	_ =	strace $0x80000047;
	s3 =	sor.u32 s6, s5;
	v4 =	vsel vm5, $0x200, v4;
	v5 =	vsel vm5, $0x3200, v5  }
0xc: {  	vm10 =	vcmask $0x2724;
	s14 =	sadd.s32 $0x100, s4;
	s15 =	sadd.s32 $0x200, s4;
	p0 =	seq.s32 s3, $0x0;
	v4 =	vsel vm6, $0x280, v4;
	v5 =	vsel vm6, $0x3280, v5  }
0xd: {  	vm11 =	vcmask $0x2B28;
	s10 =	sshrl.u32 s0, $0x1;
	s25 =	sshrl.u32 s3, $0x3;
	p0 =	por !p1, !p0;
	v4 =	vsel vm7, $0x300, v4;
	v5 =	vsel vm7, $0x3300, v5  }
0xe: {  	vm12 =	vcmask $0x2F2C;
	s0 =	ssub.s32 s0, s10;
	s10 =	sadd.s32 s1, s25;
	p0 =	por !p0, !p0;
	v4 =	vsel vm8, $0x380, v4;
	v5 =	vsel vm8, $0x3380, v5  }
0xf: {  	vm13 =	vcmask $0x3330;
	s0 =	smax.u32 s0, $0x1;
	[dreg:$0x8] =	wrdreg s10;
	s7 =	simm.s32 @!p0 $0x0;
	v4 =	vsel vm9, $0x1800, v4;
	v5 =	vsel vm9, $0x4800, v5  }
0x10: {  	vm14 =	vcmask $0x3734;
	s25 =	simm.s32 $0xA300;
	[dreg:$0x9] =	wrdreg s0;
	s7 =	sshll.u32 s7, $0xB;
	v4 =	vsel vm10, $0x1880, v4;
	v5 =	vsel vm10, $0x4880, v5  }
0x11: {  	v2 =	vshrl.u32 v3, $0x3;
	s10 =	simm.s32 $0x8300;
	s8 =	sadd.s32 s3, s7;
	s5 =	sadd.s32 s7, s5;
	v4 =	vsel vm11, $0x1900, v4;
	v5 =	vsel vm11, $0x4900, v5  }
0x12: {  	v1 =	vand.u32 $0x7, v3;
	s7 =	simm.s32 $0x6300;
	s8 =	sand.u32 $0xFFFFF800, s8;
	s26 =	sadd.s32 s6, s5;
	v4 =	vsel vm12, $0x1980, v4;
	v5 =	vsel vm12, $0x4980, v5  }
0x13: {  	v3 =	vor.u32 $0x8, v3;
	s5 =	simm.s32 $0x0;
	s8 =	ssub.s32 s3, s8;
	s11 =	sand.u32 $0xFFFFF800, s26;
	v4 =	vsel vm13, $0x1A00, v4;
	v5 =	vsel vm13, $0x4A00, v5  }
0x14: {  	vm15 =	vcmask $0x3B38;
	s26 =	simm.s32 $0xAB00;
	s8 =	sshra.s32 s8, $0x8;
	[dreg:$0xa] =	wrdreg s11;
	v4 =	vsel vm14, $0x1A80, v4;
	v5 =	vsel vm14, $0x4A80, v5  }
0x15: {  	v2 =	vmul.u32 $0x8, v2;
	[dreg:$0x7] =	wrdreg s8;
	p0 =	slt.s32 s8, $0x1;
	s8 =	simm.s32 $0x8B00;
	v4 =	vsel vm15, $0x1B00, v4;
	v5 =	vsel vm15, $0x4B00, v5  }
.LBB2_1:
0x16: {  	[dreg:$0xb] =	wrdreg s5  }
.Ltmp0:
0x17: {  	s0 =	rddreg [dreg:$0x8];
	(pc) =	sbr.rel @p0 .LBB2_7-.Ltmp0, $4  }
0x18: {  	[tilespmem:s9], [sflag:$0x3] =	stream.linear.gather [hbm4b:s0+s9], $0x100, $0x38;
	[tilespmem:$0xC900] =	vst v63  }
0x19: {  	_ =	swait.ge [sflag:s18], $0x100  }
0x1a: {  	[sflag:s18] =	ssyncset.done $0x0  }
0x1b: {  	v6 =	vimm.s32 $0x0;
	[sflag:s18] =	ssyncadd.s32 $0xFFFFFF00  }
0x1c: {  	s0 =	sshrl.u32 s11, $0x3  }
0x1d: {  	s0 =	sadd.s32 s1, s0  }
0x1e: {  	[tilespmem:s19], [sflag:$0x3] =	stream.linear.gather [hbm4b:s0+s9], $0x100, $0x38;
	[tilespmem:$0xC900] =	vst v63  }
0x1f: {  	_ =	swait.ge [sflag:s18], $0x100  }
0x20: {  	s16 =	rddreg [dreg:$0x7]  }
0x21: {  	p2 =	sne.s32 s16, $0x1  }
.Ltmp1:
0x22: {  	_ = 	snop;
	(pc) =	sbr.rel @!p2 .LBB2_3-.Ltmp1, $4  }
0x23: {  	[sflag:s18] =	ssyncset.done $0x0  }
0x24: {  	[sflag:s18] =	ssyncadd.s32 $0xFFFFFF00  }
0x25: {  	v6 =	vld [tilespmem:$0x200]  }
0x26: {  	p1 =	por $0x0, $0x0;
	s5 =	sadd.s32 $0xFFFFFFFF, s16;
	v7 =	vld [tilespmem:$0x210]  }
0x27: {  	v8 =	vld [tilespmem:$0x220]  }
0x28: {  	v9 =	vld [tilespmem:$0x230]  }
0x29: {  	v10 =	vld [tilespmem:$0x240]  }
0x2a: {  	vm0 =	vne.s32 v6, $0x1;
	v6 =	vld [tilespmem:$0x250]  }
0x2b: {  	v11 =	vsel vm0, $0x1, v0;
	vm13 =	vne.s32 v7, $0x1;
	v7 =	vld [tilespmem:$0x260]  }
0x2c: {  	v11 =	vadd.s32 v11, v0;
	v12 =	vsel vm13, $0x1, v0;
	vm14 =	vne.s32 v8, $0x1;
	v8 =	vld [tilespmem:$0x270]  }
0x2d: {  	vm15 =	vne.s32 v9, $0x1;
	v9 =	vld [tilespmem:$0x280];
	v11 =	vadd.s32 v12, v11;
	v56 =	vsel vm14, $0x1, v0  }
0x2e: {  	vm4 =	vne.s32 v10, $0x1;
	v10 =	vld [tilespmem:$0x290];
	v57 =	vsel vm15, $0x1, v0;
	v11 =	vadd.s32 v56, v11  }
0x2f: {  	v58 =	vsel vm4, $0x1, v0;
	v11 =	vadd.s32 v57, v11;
	vm5 =	vne.s32 v6, $0x1;
	v6 =	vld [tilespmem:$0x2A0]  }
0x30: {  	v11 =	vadd.s32 v58, v11;
	v59 =	vsel vm5, $0x1, v0;
	vm6 =	vne.s32 v7, $0x1;
	v7 =	vld [tilespmem:$0x2B0]  }
0x31: {  	v11 =	vadd.s32 v59, v11;
	v60 =	vsel vm6, $0x1, v0;
	vm7 =	vne.s32 v8, $0x1;
	v8 =	vld [tilespmem:$0x2C0]  }
0x32: {  	s0 =	sadd.s32 $0x100, s11;
	vm8 =	vne.s32 v9, $0x1;
	v9 =	vld [tilespmem:$0x2D0];
	v11 =	vadd.s32 v60, v11;
	v61 =	vsel vm7, $0x1, v0  }
0x33: {  	s6 =	sshrl.u32 s0, $0x3;
	vm9 =	vne.s32 v10, $0x1;
	v10 =	vld [tilespmem:$0x2E0];
	v62 =	vsel vm8, $0x1, v0;
	v11 =	vadd.s32 v61, v11  }
0x34: {  	v13 =	vld [tilespmem:$0x2F0];
	p2 =	sne.s32 s5, $0x1;
	s6 =	sadd.s32 s1, s6;
	v63 =	vsel vm9, $0x1, v0;
	v11 =	vadd.s32 v62, v11;
	vm10 =	vne.s32 v6, $0x1  }
0x35: {  	[tilespmem:s19], [sflag:$0x3] =	stream.linear.gather [hbm4b:s6+s9], $0x100, $0x38;
	v6 =	vadd.s32 v63, v11;
	v11 =	vsel vm10, $0x1, v0;
	vm11 =	vne.s32 v7, $0x1;
	[tilespmem:$0xC900] =	vst v63  }
.Ltmp2:
0x36: {  	_ =	swait.ge [sflag:s18], $0x100;
	v6 =	vadd.s32 v11, v6;
	v7 =	vsel vm11, $0x1, v0;
	vm12 =	vne.s32 v8, $0x1;
	(pc) =	sbr.rel @!p2 .LBB2_6-.Ltmp2, $4  }
0x37: {  	[sflag:s18] =	ssyncset.done $0x0;
	vm13 =	vne.s32 v9, $0x1;
	v6 =	vadd.s32 v7, v6;
	v7 =	vsel vm12, $0x1, v0  }
0x38: {  	[sflag:s18] =	ssyncadd.s32 $0xFFFFFF00;
	vm14 =	vne.s32 v10, $0x1;
	v8 =	vsel vm13, $0x1, v0;
	v7 =	vadd.s32 v7, v6  }
0x39: {  	vm15 =	vne.s32 v13, $0x1;
	v9 =	vsel vm14, $0x1, v0;
	v6 =	vld [tilespmem:$0x200];
	v8 =	vadd.s32 v8, v7  }
0x3a: {  	s5 =	sadd.s32 $0xFFFFFFFF, s5;
	p1 =	por $0x1, $0x1;
	v7 =	vld [tilespmem:$0x210];
	v8 =	vadd.s32 v9, v8;
	v9 =	vsel vm15, $0x1, v0  }
.LBB2_5:
0x3b: {  	p2 =	sne.s32 s5, $0x1;
	s5 =	sadd.s32 $0xFFFFFFFF, s5;
	v10 =	vld [tilespmem:$0x220];
	v8 =	vadd.s32 v9, v8  }
0x3c: {  	v9 =	vld [tilespmem:$0x230]  }
0x3d: {  	v11 =	vld [tilespmem:$0x240]  }
0x3e: {  	vm0 =	vne.s32 v6, $0x1;
	v6 =	vld [tilespmem:$0x250]  }
0x3f: {  	v12 =	vsel vm0, $0x1, v0;
	vm0 =	vne.s32 v7, $0x1;
	v7 =	vld [tilespmem:$0x260]  }
0x40: {  	v8 =	vadd.s32 v12, v8;
	v12 =	vsel vm0, $0x1, v0;
	vm0 =	vne.s32 v10, $0x1;
	v10 =	vld [tilespmem:$0x270]  }
0x41: {  	v8 =	vadd.s32 v12, v8;
	v12 =	vsel vm0, $0x1, v0;
	vm0 =	vne.s32 v9, $0x1;
	v9 =	vld [tilespmem:$0x280]  }
0x42: {  	v8 =	vadd.s32 v12, v8;
	v12 =	vsel vm0, $0x1, v0;
	vm0 =	vne.s32 v11, $0x1;
	v11 =	vld [tilespmem:$0x290]  }
0x43: {  	v8 =	vadd.s32 v12, v8;
	v12 =	vsel vm0, $0x1, v0;
	vm0 =	vne.s32 v6, $0x1;
	v6 =	vld [tilespmem:$0x2A0]  }
0x44: {  	v8 =	vadd.s32 v12, v8;
	v12 =	vsel vm0, $0x1, v0;
	vm0 =	vne.s32 v7, $0x1;
	v7 =	vld [tilespmem:$0x2B0]  }
0x45: {  	v8 =	vadd.s32 v12, v8;
	v12 =	vsel vm0, $0x1, v0;
	vm0 =	vne.s32 v10, $0x1;
	v10 =	vld [tilespmem:$0x2C0]  }
0x46: {  	s0 =	sadd.s32 $0x100, s0;
	v8 =	vadd.s32 v12, v8;
	v12 =	vsel vm0, $0x1, v0;
	vm0 =	vne.s32 v9, $0x1;
	v9 =	vld [tilespmem:$0x2D0]  }
0x47: {  	s6 =	sshrl.u32 s0, $0x3;
	v8 =	vadd.s32 v12, v8;
	v12 =	vsel vm0, $0x1, v0;
	vm0 =	vne.s32 v11, $0x1;
	v11 =	vld [tilespmem:$0x2E0]  }
0x48: {  	s6 =	sadd.s32 s1, s6;
	v8 =	vadd.s32 v12, v8;
	v12 =	vsel vm0, $0x1, v0;
	vm0 =	vne.s32 v6, $0x1;
	v13 =	vld [tilespmem:$0x2F0]  }
0x49: {  	[tilespmem:s19], [sflag:$0x3] =	stream.linear.gather [hbm4b:s6+s9], $0x100, $0x38;
	v6 =	vadd.s32 v12, v8;
	v8 =	vsel vm0, $0x1, v0;
	vm0 =	vne.s32 v7, $0x1;
	[tilespmem:$0xC900] =	vst v63  }
.Ltmp3:
0x4a: {  	_ =	swait.ge [sflag:s18], $0x100;
	v6 =	vadd.s32 v8, v6;
	v7 =	vsel vm0, $0x1, v0;
	vm0 =	vne.s32 v10, $0x1;
	(pc) =	sbr.rel @p2 .LBB2_5-.Ltmp3, $4  }
0x4b: {  	[sflag:s18] =	ssyncset.done $0x0;
	v6 =	vadd.s32 v7, v6;
	v7 =	vsel vm0, $0x1, v0;
	vm0 =	vne.s32 v9, $0x1  }
0x4c: {  	[sflag:s18] =	ssyncadd.s32 $0xFFFFFF00;
	v7 =	vadd.s32 v7, v6;
	v8 =	vsel vm0, $0x1, v0;
	vm0 =	vne.s32 v11, $0x1  }
0x4d: {  	v6 =	vld [tilespmem:$0x200];
	v8 =	vadd.s32 v8, v7;
	v9 =	vsel vm0, $0x1, v0;
	vm0 =	vne.s32 v13, $0x1  }
0x4e: {  	v7 =	vld [tilespmem:$0x210];
	v8 =	vadd.s32 v9, v8;
	v9 =	vsel vm0, $0x1, v0  }
.LBB2_6:
0x4f: {  	v10 =	vld [tilespmem:$0x220]  }
0x50: {  	v11 =	vld [tilespmem:$0x230]  }
0x51: {  	v12 =	vld [tilespmem:$0x240]  }
0x52: {  	v8 =	vadd.s32 @p1 v9, v8;
	vm0 =	vne.s32 v6, $0x1;
	v6 =	vld [tilespmem:$0x250]  }
0x53: {  	v8 =	vpsel p1, v8, v0;
	v47 =	vsel vm0, $0x1, v0;
	vm13 =	vne.s32 v7, $0x1;
	v7 =	vld [tilespmem:$0x260]  }
0x54: {  	v49 =	vld [tilespmem:$0x270];
	v8 =	vadd.s32 v47, v8;
	v48 =	vsel vm13, $0x1, v0;
	vm14 =	vne.s32 v10, $0x1  }
0x55: {  	v51 =	vld [tilespmem:$0x280];
	vm15 =	vne.s32 v11, $0x1;
	v8 =	vadd.s32 v48, v8;
	v50 =	vsel vm14, $0x1, v0  }
0x56: {  	v53 =	vld [tilespmem:$0x290];
	vm4 =	vne.s32 v12, $0x1;
	v52 =	vsel vm15, $0x1, v0;
	v8 =	vadd.s32 v50, v8  }
0x57: {  	v54 =	vsel vm4, $0x1, v0;
	v8 =	vadd.s32 v52, v8;
	vm5 =	vne.s32 v6, $0x1;
	v6 =	vld [tilespmem:$0x2A0]  }
0x58: {  	v8 =	vadd.s32 v54, v8;
	v55 =	vsel vm5, $0x1, v0;
	vm6 =	vne.s32 v7, $0x1;
	v7 =	vld [tilespmem:$0x2B0]  }
0x59: {  	v57 =	vld [tilespmem:$0x2C0];
	vm7 =	vne.s32 v49, $0x1;
	v8 =	vadd.s32 v55, v8;
	v56 =	vsel vm6, $0x1, v0  }
0x5a: {  	v59 =	vld [tilespmem:$0x2D0];
	vm8 =	vne.s32 v51, $0x1;
	v58 =	vsel vm7, $0x1, v0;
	v8 =	vadd.s32 v56, v8  }
0x5b: {  	v61 =	vld [tilespmem:$0x2E0];
	vm9 =	vne.s32 v53, $0x1;
	v60 =	vsel vm8, $0x1, v0;
	v8 =	vadd.s32 v58, v8  }
0x5c: {  	v62 =	vsel vm9, $0x1, v0;
	v8 =	vadd.s32 v60, v8;
	vm10 =	vne.s32 v6, $0x1;
	v6 =	vld [tilespmem:$0x2F0]  }
0x5d: {  	v8 =	vadd.s32 v62, v8;
	v63 =	vsel vm10, $0x1, v0;
	vm11 =	vne.s32 v7, $0x1  }
0x5e: {  	vm12 =	vne.s32 v57, $0x1;
	v7 =	vadd.s32 v63, v8;
	v8 =	vsel vm11, $0x1, v0  }
0x5f: {  	vm13 =	vne.s32 v59, $0x1;
	v7 =	vadd.s32 v8, v7;
	v8 =	vsel vm12, $0x1, v0  }
0x60: {  	vm14 =	vne.s32 v61, $0x1;
	v7 =	vadd.s32 v8, v7;
	v8 =	vsel vm13, $0x1, v0  }
0x61: {  	v7 =	vadd.s32 v8, v7;
	v8 =	vsel vm14, $0x1, v0;
	vm15 =	vne.s32 v6, $0x1  }
0x62: {  	v6 =	vadd.s32 v8, v7;
	v7 =	vsel vm15, $0x1, v0  }
0x63: {  	v6 =	vadd.s32 v7, v6  }
.LBB2_7:
0x64: {  	v7 =	vld [tilespmem:$0x0]  }
0x65: {  	v8 =	vld [tilespmem:$0x10];
	_ =	sdelay $0x3  }
0x66: {  	vm12 =	vne.s32 v7, $0x1;
	v7 =	vld [tilespmem:$0x20]  }
0x67: {  	(xrf0) =	vadd.scan.msk.s32 $0xffff, v6;
	vm14 =	vne.s32 v8, $0x1;
	v6 =	vsel vm12, $0x1, v0  }
0x68: {  	v46 =	vld [tilespmem:$0x30];
	(xrf0) =	vadd.scan.msk.s32 $0xffff, v6;
	v6 =	vsel vm14, $0x1, v0  }
0x69: {  	(xrf0) =	vadd.scan.msk.s32 $0xffff, v6;
	v6 =	vld [tilespmem:$0x40]  }
0x6a: {  	v9 =	vld [tilespmem:$0x50]  }
0x6b: {  	vm13 =	vne.s32 v7, $0x1  }
0x6c: {  	v11 =	vld [tilespmem:$0x60];
	v10 =	vsel vm13, $0x1, v0  }
0x6d: {  	v47 =	vld [tilespmem:$0x70];
	vm11 =	vne.s32 v46, $0x1;
	v7, _, _ =	vpop (xrf0);
	(xrf0) =	vadd.scan.msk.s32 $0xffff, v10  }
0x6e: {  	v48 =	vsel vm11, $0x1, v0;
	(v2sf) =	vpush v7, $0xF;
	v12, _, _ =	vpop (xrf0);
	vm9 =	vne.s32 v6, $0x1  }
0x6f: {  	v50 =	vld [tilespmem:$0x80];
	vm8 =	vne.s32 v9, $0x1;
	(xrf0) =	vadd.scan.msk.s32 $0xffff, v48;
	(v2sf) =	vpush v12, $0xF;
	v49 =	vsel vm9, $0x1, v0  }
0x70: {  	v51 =	vsel vm8, $0x1, v0;
	v6, _, _ =	vpop (xrf0);
	(xrf0) =	vadd.scan.msk.s32 $0xffff, v49  }
0x71: {  	v13 =	vld [tilespmem:$0x90];
	vm10 =	vne.s32 v11, $0x1;
	(v2sf) =	vpush v6, $0xF;
	(xrf0) =	vadd.scan.msk.s32 $0xffff, v51  }
0x72: {  	v55 =	vld [tilespmem:$0xA0];
	vm5 =	vne.s32 v47, $0x1;
	v52 =	vsel vm10, $0x1, v0  }
0x73: {  	v54 =	vsel vm5, $0x1, v0;
	(xrf0) =	vadd.scan.msk.s32 $0xffff, v52;
	v53, _, _ =	vpop (xrf0)  }
0x74: {  	vm4 =	vne.s32 v50, $0x1;
	(xrf0) =	vadd.scan.msk.s32 $0xffff, v54;
	(v2sf) =	vpush v53, $0xF  }
0x75: {  	v57 =	vsel vm4, $0x1, v0;
	v56, _, _ =	vpop (xrf0)  }
0x76: {  	v60 =	vld [tilespmem:$0xB0];
	vm3 =	vne.s32 v13, $0x1;
	(xrf0) =	vadd.scan.msk.s32 $0xffff, v57;
	(v2sf) =	vpush v56, $0xF;
	v58, _, _ =	vpop (xrf0)  }
0x77: {  	v61 =	vld [tilespmem:$0xC0];
	vm6 =	vne.s32 v55, $0x1;
	v59 =	vsel vm3, $0x1, v0;
	(v2sf) =	vpush v58, $0xF;
	v14, _, _ =	vpop (xrf0)  }
0x78: {  	v17 =	vld [tilespmem:$0xD0];
	v16 =	vsel vm6, $0x1, v0;
	(xrf0) =	vadd.scan.msk.s32 $0xffff, v59;
	(v2sf) =	vpush v14, $0xF  }
0x79: {  	v62 =	vld [tilespmem:$0xE0];
	(xrf0) =	vadd.scan.msk.s32 $0xffff, v16;
	v15, _, _ =	vpop (xrf0)  }
0x7a: {  	(v2sf) =	vpush v15, $0xF;
	v18, _, _ =	vpop (xrf0)  }
0x7b: {  	vm7 =	vne.s32 v60, $0x1;
	(v2sf) =	vpush v18, $0xF  }
0x7c: {  	v25 =	vld [tilespmem:$0xF0];
	vm0 =	vne.s32 v61, $0x1;
	v20 =	vsel vm7, $0x1, v0;
	v19, _, _ =	vpop (xrf0)  }
0x7d: {  	vm1 =	vne.s32 v17, $0x1;
	v11 =	vsel vm0, $0x1, v0;
	(xrf0) =	vadd.scan.msk.s32 $0xffff, v20;
	s0 =	spop (v2sf);
	(v2sf) =	vpush v19, $0xF  }
0x7e: {  	vm2 =	vne.s32 v62, $0x1;
	v29 =	vsel vm1, $0x1, v0;
	v63, _, _ =	vpop (xrf0);
	(xrf0) =	vadd.scan.msk.s32 $0xffff, v11;
	s5 =	spop (v2sf)  }
0x7f: {  	v32 =	vsel vm2, $0x1, v0;
	v7 =	vadd.s32 $0x1, v7;
	v31, _, _ =	vpop (xrf0);
	(xrf0) =	vadd.scan.msk.s32 $0xffff, v29;
	(v2sf) =	vpush v63, $0xF;
	s0 =	sadd.s32 s0, s5  }
0x80: {  	v7 =	vbroadcast v7, $0xF;
	(xrf0) =	vadd.scan.msk.s32 $0xffff, v32;
	s16 =	spop (v2sf);
	(v2sf) =	vpush v31, $0xF;
	v28 =	vmov s0  }
0x81: {  	vm15 =	vne.s32 v25, $0x1;
	s0 =	sadd.s32 s0, s16;
	v30 =	vadd.s32 $0x1, v28  }
0x82: {  	v7 =	vadd.s32 v12, v7;
	v33 =	vmov s0;
	v16 =	vbroadcast v30, $0x0  }
0x83: {  	v55 =	vsel vm15, $0x1, v0;
	v7 =	vnsel vm12, $0x1, v7;
	v35, _, _ =	vpop (xrf0);
	v34 =	vadd.s32 $0x1, v33;
	s6 =	spop (v2sf)  }
0x84: {  	v36, _, _ =	vpop (xrf0);
	v11 =	vbroadcast v34, $0x0;
	(v2sf) =	vpush v35, $0xF;
	v6 =	vadd.s32 v6, v16;
	s0 =	sadd.s32 s0, s6  }
0x85: {  	v38, _, _ =	vpop (xrf0);
	s11 =	spop (v2sf);
	(v2sf) =	vpush v36, $0xF;
	v6 =	vnsel vm14, $0x1, v6;
	v37 =	vmov s0  }
0x86: {  	v22, _, _ =	vpop (xrf0);
	v8 =	vadd.s32 v53, v11;
	s0 =	sadd.s32 s0, s11;
	v11 =	vadd.s32 $0x1, v37;
	s16 =	spop (v2sf);
	(v2sf) =	vpush v38, $0xF  }
0x87: {  	v21 =	vmov s0;
	v11 =	vbroadcast v11, $0x0;
	s0 =	sadd.s32 s0, s16;
	s6 =	spop (v2sf);
	(v2sf) =	vpush v22, $0xF  }
0x88: {  	v8 =	vnsel vm13, $0x1, v8;
	v21 =	vadd.s32 $0x1, v21;
	v23 =	vmov s0;
	s0 =	sadd.s32 s0, s6  }
0x89: {  	s11 =	spop (v2sf);
	v39 =	vbroadcast v21, $0x0;
	v9 =	vadd.s32 v56, v11;
	v40 =	vmov s0  }
0x8a: {  	s0 =	sadd.s32 s0, s11;
	s16 =	spop (v2sf);
	v23 =	vadd.s32 $0x1, v23;
	v9 =	vnsel vm11, $0x1, v9;
	v21 =	vadd.s32 $0x1, v40  }
0x8b: {  	v11 =	vadd.s32 v58, v39;
	v41 =	vbroadcast v23, $0x0;
	s5 =	sadd.s32 s0, s16;
	v42 =	vmov s0  }
0x8c: {  	s6 =	spop (v2sf);
	v21 =	vbroadcast v21, $0x0;
	v11 =	vnsel vm9, $0x1, v11;
	v24 =	vmov s5  }
0x8d: {  	s0 =	sadd.s32 s5, s6;
	v44 =	vadd.s32 $0x1, v42;
	v13 =	vadd.s32 v14, v41;
	v45 =	vadd.s32 $0x1, v24  }
0x8e: {  	[tilespmem:$0x100] =	vst v7;
	v46 =	vmov s0;
	s11 =	spop (v2sf);
	v43 =	vadd.s32 v15, v21;
	v13 =	vnsel vm8, $0x1, v13  }
0x8f: {  	(xrf0) =	vadd.scan.msk.s32 $0xffff, v55;
	v15 =	vbroadcast v44, $0x0;
	v7 =	vbroadcast v45, $0x0;
	v48 =	vadd.s32 $0x1, v46;
	s5 =	sadd.s32 s0, s11;
	s16 =	spop (v2sf)  }
0x90: {  	[tilespmem:$0x110] =	vst v6;
	v14 =	vnsel vm10, $0x1, v43;
	v50 =	vbroadcast v48, $0x0;
	v47 =	vmov s5;
	s0 =	sadd.s32 s5, s16  }
0x91: {  	[tilespmem:$0x120] =	vst v8;
	v6 =	vadd.s32 v18, v15;
	v49 =	vadd.s32 $0x1, v47;
	v52 =	vmov s0  }
0x92: {  	[tilespmem:$0x130] =	vst v9;
	v7 =	vadd.s32 v19, v7;
	v51 =	vbroadcast v49, $0x0;
	v8 =	vadd.s32 $0x1, v52  }
0x93: {  	[tilespmem:$0x140] =	vst v11;
	v6 =	vnsel vm5, $0x1, v6;
	v53 =	vadd.s32 v63, v50;
	s6 =	spop (v2sf);
	v8 =	vbroadcast v8, $0x0  }
0x94: {  	[tilespmem:$0x150] =	vst v13;
	v7 =	vnsel vm4, $0x1, v7;
	v9 =	vnsel vm3, $0x1, v53;
	v54 =	vadd.s32 v31, v51;
	s0 =	sadd.s32 s0, s6;
	s11 =	spop (v2sf)  }
0x95: {  	[tilespmem:$0x160] =	vst v14;
	v10 =	vnsel vm6, $0x1, v54;
	v8 =	vadd.s32 v35, v8;
	v56 =	vmov s0;
	s0 =	sadd.s32 s0, s11;
	s16 =	spop (v2sf)  }
0x96: {  	[tilespmem:$0x170] =	vst v6;
	v8 =	vnsel vm7, $0x1, v8;
	v6 =	vadd.s32 $0x1, v56;
	v57 =	vmov s0;
	s0 =	sadd.s32 s0, s16;
	s6 =	spop (v2sf)  }
0x97: {  	[tilespmem:$0x180] =	vst v7;
	v6 =	vbroadcast v6, $0x0;
	v7 =	vadd.s32 $0x1, v57;
	v58 =	vmov s0;
	s0 =	sadd.s32 s0, s6  }
0x98: {  	[tilespmem:$0x190] =	vst v9;
	v7 =	vbroadcast v7, $0x0;
	v59 =	vadd.s32 $0x1, v58;
	v60 =	vmov s0  }
0x99: {  	[tilespmem:$0x1A0] =	vst v10;
	v6 =	vadd.s32 v36, v6;
	v9 =	vbroadcast v59, $0x0;
	v61 =	vadd.s32 $0x1, v60  }
0x9a: {  	[tilespmem:$0x1B0] =	vst v8;
	v6 =	vnsel vm0, $0x1, v6;
	v7 =	vadd.s32 v38, v7;
	v62 =	vbroadcast v61, $0x0  }
0x9b: {  	v63, _, _ =	vpop (xrf0);
	v7 =	vnsel vm1, $0x1, v7;
	[tilespmem:$0x1C0] =	vst v6;
	v6 =	vadd.s32 v22, v9  }
0x9c: {  	[tilespmem:$0x1D0] =	vst v7;
	v6 =	vnsel vm2, $0x1, v6;
	v7 =	vadd.s32 v63, v62  }
0x9d: {  	[tilespmem:$0x1E0] =	vst v6;
	v6 =	vnsel vm15, $0x1, v7  }
0x9e: {  	s11 =	rddreg [dreg:$0x3];
	s6 =	simm.s32 $0x0;
	[tilespmem:$0x1F0] =	vst v6  }
0x9f: {  	[tilespmem:s20], [sflag:$0x3] =	stream.linear.gather [hbm4b:s11+s6], $0x300, $0x38;
	[tilespmem:$0xC900] =	vst v63  }
0xa0: {  	_ =	swait.ge [sflag:s18], $0x300  }
0xa1: {  	[sflag:s18] =	ssyncset.done $0x0  }
0xa2: {  	[sflag:s18] =	ssyncadd.s32 $0xFFFFFD00  }
0xa3: {  	s16 =	rddreg [dreg:$0x4]  }
0xa4: {  	[tilespmem:s21], [sflag:$0x3] =	stream.linear.gather [hbm4b:s16+s6], $0x300, $0x38;
	[tilespmem:$0xC900] =	vst v63  }
0xa5: {  	_ =	swait.ge [sflag:s18], $0x300  }
0xa6: {  	[sflag:s18] =	ssyncset.done $0x0  }
0xa7: {  	s0 =	simm.s32 $0x0;
	[sflag:s18] =	ssyncadd.s32 $0xFFFFFD00  }
.LBB2_8:
0xa8: {  	s5 =	sshll.u32 s0, $0x5  }
0xa9: {  	v6 =	vld [tilespmem:s5+$0x0];
	_ =	sdelay $0x4  }
0xaa: {  	v7 =	vshrl.u32 v6, $0x3  }
0xab: {  	v7 =	vmul.u32 $0x30, v7  }
0xac: {  	v6 =	vand.u32 $0x7, v6  }
0xad: {  	v6 =	vor.u32 v6, v7  }
0xae: {  	v7 =	vperm.xlane v6, v1;
	_ =	sdelay $0x1  }
0xaf: {  	v7 =	vadd.s32 v2, v7;
	_ =	sdelay $0x3  }
0xb0: {  	vm0 =	vmmov $0xffff;
	v6 =	vperm.xlane v6, v3  }
0xb1: {  	[tilespmem:s22], [sflag:$0x1] =	stream.indirect_vreg.gather [hbm4b:s2+s6], $0x80, v7, vm0, $0xb8;
	[tilespmem:$0xC900] =	vst v63  }
0xb2: {  	s11 =	simm.s32 $0xB00;
	v6 =	vadd.s32 v2, v6  }
0xb3: {  	[tilespmem:s11], [sflag:$0x1] =	stream.indirect_vreg.gather [hbm4b:s12+s6], $0x80, v7, vm0, $0xb8;
	[tilespmem:$0xC900] =	vst v63  }
0xb4: {  	s16 =	simm.s32 $0x1300  }
0xb5: {  	[tilespmem:s16], [sflag:$0x1] =	stream.indirect_vreg.gather [hbm4b:s13+s6], $0x80, v7, vm0, $0xb8;
	[tilespmem:$0xC900] =	vst v63  }
0xb6: {  	s16 =	simm.s32 $0x1B00  }
0xb7: {  	[tilespmem:s16], [sflag:$0x1] =	stream.indirect_vreg.gather [hbm4b:s2+s6], $0x80, v6, vm0, $0xb8;
	[tilespmem:$0xC900] =	vst v63  }
0xb8: {  	s16 =	simm.s32 $0x2300  }
0xb9: {  	[tilespmem:s16], [sflag:$0x1] =	stream.indirect_vreg.gather [hbm4b:s12+s6], $0x80, v6, vm0, $0xb8;
	[tilespmem:$0xC900] =	vst v63  }
0xba: {  	s16 =	simm.s32 $0x2B00  }
0xbb: {  	[tilespmem:s16], [sflag:$0x1] =	stream.indirect_vreg.gather [hbm4b:s13+s6], $0x80, v6, vm0, $0xb8;
	[tilespmem:$0xC900] =	vst v63  }
0xbc: {  	v6 =	vld [tilespmem:s5+$0x10];
	_ =	sdelay $0x4  }
0xbd: {  	v7 =	vshrl.u32 v6, $0x3  }
0xbe: {  	v7 =	vmul.u32 $0x30, v7  }
0xbf: {  	v6 =	vand.u32 $0x7, v6  }
0xc0: {  	v6 =	vor.u32 v6, v7  }
0xc1: {  	v7 =	vperm.xlane v6, v1;
	_ =	sdelay $0x1  }
0xc2: {  	v7 =	vadd.s32 v2, v7;
	_ =	sdelay $0x3  }
0xc3: {  	s16 =	simm.s32 $0x3300;
	v6 =	vperm.xlane v6, v3  }
0xc4: {  	[tilespmem:s16], [sflag:$0x1] =	stream.indirect_vreg.gather [hbm4b:s2+s6], $0x80, v7, vm0, $0xb8;
	[tilespmem:$0xC900] =	vst v63  }
0xc5: {  	v6 =	vadd.s32 v2, v6;
	s16 =	simm.s32 $0x3B00  }
0xc6: {  	[tilespmem:s16], [sflag:$0x1] =	stream.indirect_vreg.gather [hbm4b:s12+s6], $0x80, v7, vm0, $0xb8;
	[tilespmem:$0xC900] =	vst v63  }
0xc7: {  	s16 =	simm.s32 $0x4300  }
0xc8: {  	[tilespmem:s16], [sflag:$0x1] =	stream.indirect_vreg.gather [hbm4b:s13+s6], $0x80, v7, vm0, $0xb8;
	[tilespmem:$0xC900] =	vst v63  }
0xc9: {  	s16 =	simm.s32 $0x4B00  }
0xca: {  	[tilespmem:s16], [sflag:$0x1] =	stream.indirect_vreg.gather [hbm4b:s2+s6], $0x80, v6, vm0, $0xb8;
	[tilespmem:$0xC900] =	vst v63  }
0xcb: {  	s16 =	simm.s32 $0x5300  }
0xcc: {  	[tilespmem:s16], [sflag:$0x1] =	stream.indirect_vreg.gather [hbm4b:s12+s6], $0x80, v6, vm0, $0xb8;
	[tilespmem:$0xC900] =	vst v63  }
0xcd: {  	s16 =	simm.s32 $0x5B00  }
0xce: {  	[tilespmem:s16], [sflag:$0x1] =	stream.indirect_vreg.gather [hbm4b:s13+s6], $0x80, v6, vm0, $0xb8;
	[tilespmem:$0xC900] =	vst v63  }
0xcf: {  	v6 =	vld [tilespmem:s5+$0x100];
	_ =	sdelay $0x4  }
0xd0: {  	v7 =	vshrl.u32 v6, $0x3  }
0xd1: {  	v7 =	vmul.u32 $0x30, v7  }
0xd2: {  	v6 =	vand.u32 $0x7, v6  }
0xd3: {  	v6 =	vor.u32 v6, v7  }
0xd4: {  	v7 =	vperm.xlane v6, v1;
	_ =	sdelay $0x1  }
0xd5: {  	v7 =	vadd.s32 v2, v7;
	_ =	sdelay $0x3  }
0xd6: {  	v6 =	vperm.xlane v6, v3  }
0xd7: {  	[tilespmem:s7], [sflag:$0x2] =	stream.indirect_vreg.gather [hbm4b:s4+s6], $0x80, v7, vm0, $0xb8;
	[tilespmem:$0xC900] =	vst v63  }
0xd8: {  	s16 =	simm.s32 $0x6B00;
	v6 =	vadd.s32 v2, v6  }
0xd9: {  	[tilespmem:s16], [sflag:$0x2] =	stream.indirect_vreg.gather [hbm4b:s14+s6], $0x80, v7, vm0, $0xb8;
	[tilespmem:$0xC900] =	vst v63  }
0xda: {  	s16 =	simm.s32 $0x7300  }
0xdb: {  	[tilespmem:s16], [sflag:$0x2] =	stream.indirect_vreg.gather [hbm4b:s15+s6], $0x80, v7, vm0, $0xb8;
	[tilespmem:$0xC900] =	vst v63  }
0xdc: {  	_ = 	snop  }
0xdd: {  	[tilespmem:s17], [sflag:$0x2] =	stream.indirect_vreg.gather [hbm4b:s4+s6], $0x80, v6, vm0, $0xb8;
	[tilespmem:$0xC900] =	vst v63  }
0xde: {  	_ = 	snop  }
0xdf: {  	[tilespmem:s10], [sflag:$0x2] =	stream.indirect_vreg.gather [hbm4b:s14+s6], $0x80, v6, vm0, $0xb8;
	[tilespmem:$0xC900] =	vst v63  }
0xe0: {  	_ = 	snop  }
0xe1: {  	[tilespmem:s8], [sflag:$0x2] =	stream.indirect_vreg.gather [hbm4b:s15+s6], $0x80, v6, vm0, $0xb8;
	[tilespmem:$0xC900] =	vst v63  }
0xe2: {  	v6 =	vld [tilespmem:s5+$0x110];
	_ =	sdelay $0x4  }
0xe3: {  	v7 =	vshrl.u32 v6, $0x3  }
0xe4: {  	v7 =	vmul.u32 $0x30, v7  }
0xe5: {  	v6 =	vand.u32 $0x7, v6  }
0xe6: {  	v6 =	vor.u32 v6, v7  }
0xe7: {  	v7 =	vperm.xlane v6, v1;
	_ =	sdelay $0x1  }
0xe8: {  	v7 =	vadd.s32 v2, v7;
	_ =	sdelay $0x3  }
0xe9: {  	v6 =	vperm.xlane v6, v3  }
0xea: {  	[tilespmem:s23], [sflag:$0x2] =	stream.indirect_vreg.gather [hbm4b:s4+s6], $0x80, v7, vm0, $0xb8;
	[tilespmem:$0xC900] =	vst v63  }
0xeb: {  	v6 =	vadd.s32 v2, v6  }
0xec: {  	[tilespmem:s24], [sflag:$0x2] =	stream.indirect_vreg.gather [hbm4b:s14+s6], $0x80, v7, vm0, $0xb8;
	[tilespmem:$0xC900] =	vst v63  }
0xed: {  	_ = 	snop  }
0xee: {  	[tilespmem:s25], [sflag:$0x2] =	stream.indirect_vreg.gather [hbm4b:s15+s6], $0x80, v7, vm0, $0xb8;
	[tilespmem:$0xC900] =	vst v63  }
0xef: {  	_ = 	snop  }
0xf0: {  	[tilespmem:s26], [sflag:$0x2] =	stream.indirect_vreg.gather [hbm4b:s4+s6], $0x80, v6, vm0, $0xb8;
	[tilespmem:$0xC900] =	vst v63  }
0xf1: {  	_ = 	snop  }
0xf2: {  	v7 =	vmov s6;
	[tilespmem:s28], [sflag:$0x2] =	stream.indirect_vreg.gather [hbm4b:s14+s6], $0x80, v6, vm0, $0xb8;
	[tilespmem:$0xC900] =	vst v63  }
0xf3: {  	v8 =	vshll.u32 v7, $0x3  }
0xf4: {  	[tilespmem:s29], [sflag:$0x2] =	stream.indirect_vreg.gather [hbm4b:s15+s6], $0x80, v6, vm0, $0xb8;
	v6 =	vand.u32 $0x7F, v7;
	v7 =	vand.u32 $0x1C00, v8;
	[tilespmem:$0xC900] =	vst v63  }
0xf5: {  	_ =	swait.ge [sflag:s30], $0x6000;
	v6 =	vor.u32 v6, v7  }
0xf6: {  	[sflag:s30] =	ssyncset.done $0x0;
	v7 =	vadd.s32 v4, v6  }
0xf7: {  	[sflag:s30] =	ssyncadd.s32 $0xFFFFA000  }
0xf8: {  	_ =	swait.ge [sflag:s31], $0x6000  }
0xf9: {  	[sflag:s31] =	ssyncset.done $0x0  }
0xfa: {  	[sflag:s31] =	ssyncadd.s32 $0xFFFFA000  }
0xfb: {  	v8 =	vld.idx.msk [tilespmem:v7+s22+$0x0], $0xffff  }
0xfc: {  	v9 =	vld.idx.msk [tilespmem:v7+s7+$0x0], $0xffff;
	_ =	sdelay $0x2  }
0xfd: {  	v10 =	vadd.s32 v5, v6;
	_ =	sdelay $0x1  }
0xfe: {  	v6 =	vadd.f32 v9, v8;
	_ =	sdelay $0x1  }
0xff: {  	s16 =	simm.s32 $0x1;
	[tilespmem:v7+s22+$0x0] =	vst.idx.msk $0xffff, v6  }
0x100: {  	v9 =	vmov s16;
	v8 =	vld.idx.msk [tilespmem:v10+s22+$0x0], $0xffff  }
0x101: {  	v12 =	vshll.u32 v9, $0x3;
	v13 =	vld.idx.msk [tilespmem:v10+s7+$0x0], $0xffff  }
0x102: {  	v14 =	vand.u32 $0x7F, v9;
	v11 =	vmul.f32 v6, v6;
	v12 =	vand.u32 $0x1C00, v12  }
0x103: {  	v7 =	vimm.f32 $0.0e+00;
	v12 =	vor.u32 v14, v12  }
0x104: {  	v9 =	vadd.f32 v6, v7;
	v6 =	vadd.f32 v11, v7;
	v11 =	vadd.s32 v4, v12;
	_ =	sdelay $0x1  }
0x105: {  	s11 =	simm.s32 $0x2;
	v13 =	vadd.f32 v13, v8;
	v8 =	vimm.f32 $0.0e+00  }
.LBB2_9:
0x106: {  	_ = 	snop  }
0x107: {  	p1 =	sne.s32 s11, $0x2FF;
	s16 =	smov.u32 s11;
	s11 =	sadd.s32 $0x1, s11;
	[tilespmem:v10+s22+$0x0] =	vst.idx.msk $0xffff, v13;
	v7 =	vadd.f32 v13, v7;
	v10 =	vmul.f32 v13, v13  }
0x108: {  	v13 =	vld.idx.msk [tilespmem:v11+s22+$0x0], $0xffff  }
0x109: {  	v14 =	vld.idx.msk [tilespmem:v11+s7+$0x0], $0xffff;
	v8 =	vadd.f32 v10, v8;
	_ =	sdelay $0x3  }
0x10a: {  	v10 =	vadd.s32 v5, v12;
	_ =	sdelay $0x1  }
0x10b: {  	v12 =	vadd.f32 v14, v13;
	_ =	sdelay $0x1  }
0x10c: {  	v9 =	vadd.f32 v12, v9;
	[tilespmem:v11+s22+$0x0] =	vst.idx.msk $0xffff, v12;
	v11 =	vmul.f32 v12, v12  }
0x10d: {  	v13 =	vld.idx.msk [tilespmem:v10+s22+$0x0], $0xffff  }
0x10e: {  	v12 =	vmov s16;
	v14 =	vld.idx.msk [tilespmem:v10+s7+$0x0], $0xffff;
	v6 =	vadd.f32 v11, v6  }
0x10f: {  	v11 =	vshll.u32 v12, $0x3  }
.Ltmp4:
0x110: {  	v12 =	vand.u32 $0x7F, v12;
	v11 =	vand.u32 $0x1C00, v11;
	(pc) =	sbr.rel @p1 .LBB2_9-.Ltmp4, $3  }
0x111: {  	v12 =	vor.u32 v12, v11  }
0x112: {  	v11 =	vadd.s32 v4, v12;
	_ =	sdelay $0x1  }
0x113: {  	v13 =	vadd.f32 v14, v13  }
0x114: {  	_ =	sdelay $0x3  }
0x115: {  	[tilespmem:v10+s22+$0x0] =	vst.idx.msk $0xffff, v13  }
0x116: {  	v10 =	vld.idx.msk [tilespmem:v11+s22+$0x0], $0xffff  }
0x117: {  	v14 =	vld.idx.msk [tilespmem:v11+s7+$0x0], $0xffff;
	_ =	sdelay $0x4  }
0x118: {  	v10 =	vadd.f32 v14, v10;
	_ =	sdelay $0x1  }
0x119: {  	v12 =	vadd.s32 v5, v12;
	v9 =	vadd.f32 v10, v9;
	v14 =	vmul.f32 v10, v10;
	_ =	sdelay $0x1  }
0x11a: {  	v14 =	vadd.f32 v14, v6;
	v6 =	vmul.f32 $1.302083370e-03, v9;
	_ =	sdelay $0x1  }
0x11b: {  	[tilespmem:v11+s22+$0x0] =	vst.idx.msk $0xffff, v10;
	v9 =	vmul.f32 $1.302083370e-03, v14;
	v14 =	vmul.f32 v6, v6  }
0x11c: {  	v10 =	vld.idx.msk [tilespmem:v12+s22+$0x0], $0xffff  }
0x11d: {  	v11 =	vld.idx.msk [tilespmem:v12+s7+$0x0], $0xffff;
	v9 =	vsub.f32 v9, v14;
	_ =	sdelay $0x1  }
0x11e: {  	v9 =	vadd.f32 $9.999999960e-13, v9;
	_ =	sdelay $0x1  }
0x11f: {  	v7 =	vadd.f32 v13, v7;
	v14 =	vshra.s32 v9, $0x1;
	v9 =	vmul.f32 $5.000000000e-01, v9  }
0x120: {  	v13 =	vmul.f32 v13, v13;
	v10 =	vadd.f32 v11, v10;
	v14 =	vsub.s32 $0x5F3759DF, v14  }
0x121: {  	v15 =	vmul.f32 v14, v9  }
0x122: {  	v8 =	vadd.f32 v13, v8;
	v7 =	vadd.f32 v10, v7;
	v13 =	vmul.f32 v10, v10  }
0x123: {  	v11 =	vmul.f32 v14, v15  }
0x124: {  	v8 =	vadd.f32 v13, v8;
	v7 =	vmul.f32 $1.302083370e-03, v7  }
0x125: {  	v11 =	vsub.f32 $1.500000000e+00, v11  }
0x126: {  	v8 =	vmul.f32 $1.302083370e-03, v8;
	v13 =	vmul.f32 v7, v7  }
0x127: {  	v11 =	vmul.f32 v14, v11  }
0x128: {  	s11 =	simm.s32 $0x0;
	v8 =	vsub.f32 v8, v13  }
0x129: {  	v13 =	vmov s11;
	v14 =	vmul.f32 v11, v9  }
0x12a: {  	v15 =	vshll.u32 v13, $0x3;
	v8 =	vadd.f32 $9.999999960e-13, v8  }
0x12b: {  	v16 =	vand.u32 $0x7F, v13;
	v15 =	vand.u32 $0x1C00, v15;
	v14 =	vmul.f32 v14, v11  }
0x12c: {  	v15 =	vor.u32 v16, v15;
	v62 =	vshra.s32 v8, $0x1  }
0x12d: {  	v17 =	vmul.f32 $5.000000000e-01, v8;
	v18 =	vadd.s32 v4, v15;
	v14 =	vsub.f32 $1.500000000e+00, v14  }
0x12e: {  	v8 =	vsub.s32 $0x5F3759DF, v62  }
0x12f: {  	v11 =	vmul.f32 v14, v11;
	v14 =	vmul.f32 v8, v17;
	_ =	sdelay $0x1  }
0x130: {  	[tilespmem:v12+s22+$0x0] =	vst.idx.msk $0xffff, v10;
	v9 =	vmul.f32 v11, v9;
	v10 =	vmul.f32 v8, v14  }
0x131: {  	v12 =	vld.idx.msk [tilespmem:v18+s22+$0x0], $0xffff  }
0x132: {  	v9 =	vmul.f32 v9, v11;
	v10 =	vsub.f32 $1.500000000e+00, v10;
	_ =	sdelay $0x1  }
0x133: {  	v9 =	vsub.f32 $1.500000000e+00, v9;
	v14 =	vmul.f32 v8, v10  }
0x134: {  	v63 =	vld.idx.msk [tilespmem:v13+s20+$0x0], $0xffff  }
0x135: {  	v10 =	vsub.f32 v12, v6;
	v8 =	vmul.f32 v9, v11;
	v9 =	vmul.f32 v14, v17  }
0x136: {  	v19 =	vld.idx.msk [tilespmem:v13+s21+$0x0], $0xffff  }
0x137: {  	v9 =	vmul.f32 v9, v14;
	v10 =	vmul.f32 v10, v8;
	_ =	sdelay $0x1  }
0x138: {  	v9 =	vsub.f32 $1.500000000e+00, v9;
	v11 =	vmul.f32 v10, v63;
	v10 =	vadd.s32 v5, v15;
	_ =	sdelay $0x1  }
0x139: {  	v9 =	vmul.f32 v9, v14;
	v11 =	vadd.f32 v11, v19;
	_ =	sdelay $0x1  }
0x13a: {  	v12 =	vmul.f32 v9, v17;
	[tilespmem:v18+s7+$0x0] =	vst.idx.msk $0xffff, v11  }
0x13b: {  	v11 =	vld.idx.msk [tilespmem:v10+s22+$0x0], $0xffff  }
0x13c: {  	v12 =	vmul.f32 v12, v9;
	_ =	sdelay $0x1  }
0x13d: {  	v12 =	vsub.f32 $1.500000000e+00, v12  }
0x13e: {  	s16 =	simm.s32 $0x1  }
0x13f: {  	v9 =	vmul.f32 v12, v9;
	v11 =	vsub.f32 v11, v7;
	v12 =	vmov s16  }
0x140: {  	v13 =	vshll.u32 v12, $0x3  }
0x141: {  	v14 =	vand.u32 $0x7F, v12;
	v11 =	vmul.f32 v11, v9;
	v13 =	vand.u32 $0x1C00, v13  }
0x142: {  	v13 =	vor.u32 v14, v13  }
0x143: {  	v15 =	vmul.f32 v11, v63;
	v11 =	vadd.s32 v4, v13;
	_ =	sdelay $0x1  }
0x144: {  	s11 =	simm.s32 $0x2;
	v14 =	vadd.f32 v15, v19  }
.LBB2_11:
0x145: {  	_ = 	snop  }
0x146: {  	p1 =	sne.s32 s11, $0x2FF;
	s16 =	smov.u32 s11;
	s11 =	sadd.s32 $0x1, s11;
	[tilespmem:v10+s7+$0x0] =	vst.idx.msk $0xffff, v14  }
0x147: {  	v10 =	vld.idx.msk [tilespmem:v11+s22+$0x0], $0xffff;
	_ =	sdelay $0x3  }
0x148: {  	v14 =	vld.idx.msk [tilespmem:v12+s20+$0x0], $0xffff;
	_ =	sdelay $0x1  }
0x149: {  	v10 =	vsub.f32 v10, v6;
	v15 =	vld.idx.msk [tilespmem:v12+s21+$0x0], $0xffff;
	_ =	sdelay $0x1  }
0x14a: {  	v10 =	vmul.f32 v10, v8;
	_ =	sdelay $0x1  }
0x14b: {  	v12 =	vmul.f32 v10, v14;
	v10 =	vadd.s32 v5, v13;
	_ =	sdelay $0x1  }
0x14c: {  	v12 =	vadd.f32 v12, v15;
	_ =	sdelay $0x1  }
0x14d: {  	[tilespmem:v11+s7+$0x0] =	vst.idx.msk $0xffff, v12  }
0x14e: {  	v11 =	vld.idx.msk [tilespmem:v10+s22+$0x0], $0xffff;
	_ =	sdelay $0x5  }
0x14f: {  	v12 =	vmov s16;
	v11 =	vsub.f32 v11, v7  }
0x150: {  	v13 =	vshll.u32 v12, $0x3  }
.Ltmp5:
0x151: {  	v16 =	vand.u32 $0x7F, v12;
	v13 =	vand.u32 $0x1C00, v13;
	v17 =	vmul.f32 v11, v9;
	(pc) =	sbr.rel @p1 .LBB2_11-.Ltmp5, $3  }
0x152: {  	v13 =	vor.u32 v16, v13  }
0x153: {  	v11 =	vadd.s32 v4, v13;
	v14 =	vmul.f32 v17, v14;
	_ =	sdelay $0x1  }
0x154: {  	v14 =	vadd.f32 v14, v15  }
0x155: {  	_ =	sdelay $0x3  }
0x156: {  	[tilespmem:v10+s7+$0x0] =	vst.idx.msk $0xffff, v14  }
0x157: {  	v10 =	vld.idx.msk [tilespmem:v11+s22+$0x0], $0xffff;
	_ =	sdelay $0x3  }
0x158: {  	v14 =	vld.idx.msk [tilespmem:v12+s20+$0x0], $0xffff  }
0x159: {  	v6 =	vsub.f32 v10, v6  }
0x15a: {  	v62 =	vld.idx.msk [tilespmem:v12+s21+$0x0], $0xffff  }
0x15b: {  	v6 =	vmul.f32 v6, v8;
	_ =	sdelay $0x1  }
0x15c: {  	v63 =	vadd.s32 v5, v13;
	v6 =	vmul.f32 v6, v14;
	_ =	sdelay $0x1  }
0x15d: {  	v6 =	vadd.f32 v6, v62;
	_ =	sdelay $0x1  }
0x15e: {  	[tilespmem:v11+s7+$0x0] =	vst.idx.msk $0xffff, v6  }
0x15f: {  	v6 =	vld.idx.msk [tilespmem:v63+s22+$0x0], $0xffff;
	_ =	sdelay $0x4  }
0x160: {  	v6 =	vsub.f32 v6, v7;
	_ =	sdelay $0x1  }
0x161: {  	v6 =	vmul.f32 v6, v9;
	_ =	sdelay $0x1  }
0x162: {  	s5 =	sor.u32 s3, s5;
	v6 =	vmul.f32 v6, v14  }
0x163: {  	s5 =	sshrl.u32 s5, $0x3  }
0x164: {  	s0 =	sadd.s32 $0x1, s0;
	s5 =	smul.u32 $0x300, s5;
	v6 =	vadd.f32 v6, v62  }
0x165: {  	s11 =	rddreg [dreg:$0x5];
	p1 =	sne.s32 s0, $0x8  }
.Ltmp6:
0x166: {  	s5 =	sadd.s32 s11, s5;
	[tilespmem:v63+s7+$0x0] =	vst.idx.msk $0xffff, v6;
	(pc) =	sbr.rel @p1 .LBB2_8-.Ltmp6, $4  }
0x167: {  	[hbm4b:s5+s9] =	stream.linear.scatter [tilespmem:s7], [sflag:$0x3], $0x6000, $0x38;
	[tilespmem:$0xC900] =	vst v63  }
0x168: {  	_ =	swait.ge [sflag:s18], $0x6000  }
0x169: {  	[sflag:s18] =	ssyncset.done $0x0  }
0x16a: {  	[sflag:s18] =	ssyncadd.s32 $0xFFFFA000  }
0x16b: {  	s5 =	rddreg [dreg:$0xb]  }
0x16c: {  	s0 =	rddreg [dreg:$0x9];
	s5 =	sadd.s32 $0x1, s5  }
0x16d: {  	p1 =	sne.s32 s5, s0  }
.Ltmp7:
0x16e: {  	_ = 	snop;
	(pc) =	sbr.rel @p1 .LBB2_1-.Ltmp7, $4  }
.Ltmp8:
0x16f: {  	_ = 	snop;
	(pc) =	sbr.rel @!p1 .LBB2_14-.Ltmp8, $4  }
0x170: {  	_ = 	snop  }
0x171: {  	_ = 	snop  }
0x172: {  	s11 =	rddreg [dreg:$0xa]  }
0x173: {  	_ = 	snop  }
.LBB2_3:
.Ltmp9:
0x174: {  	(pc) =	sbr.rel .LBB2_6-.Ltmp9, $2  }
0x175: {  	_ =	sdelay $0x2  }
0x176: {  	_ = 	snop  }
.LBB2_14:
0x177: {  	_ =	sfence.sel $0x180000  }
0x178: {  	[bflag:$0x0] =	sbarrier.arrive $0xFFFF  }
0x179: {  	_ =	strace $0x90000047  }
0x17a: {  	s0 =	stileid.u32;
	[bflag:$0x2] =	sbarrier.arrive $0xFFFF  }
0x17b: {  	p0 =	sne.s32 s0, $0x0;
	s0 =	rddreg [dreg:$0x6]  }
0x17c: {  	s0 =	sadd.s32 @!p0 $0x100000, s0  }
0x17d: {  	[sflag:s0] =	ssyncadd.tile.s32 @!p0 $0x1;
	_ =	shalt  }
.Lfunc_end2:
_tile_overlayer_lowered:
.L_overlay_start_2:
0x17e: {  	(tag) =	ssettag $0x2  }
0x17f: {  	s0 =	rddreg [dreg:$0x0];
	s2 =	stileid.u32  }
0x180: {  	s1 =	rddreg [dreg:$0x1];
	p0 =	sne.s32 s2, $0x0  }
0x181: {  	s3 =	rddreg [dreg:$0x2];
	[bflag:$0x3] =	sbarrier.arrive $0xFFFF;
	s2 =	simm.s32 @!p0 $0x1C03  }
0x182: {  	[timem:s3], [sflag:s2] =	dma.local @!p0 [hbm:s0], s1  }
0x183: {  	s0 =	simm.s32 @!p0 $0x3  }
0x184: {  	_ =	swait.ge @!p0 [sflag:s0], s1  }
0x185: {  	s1 =	ssub.s32 @!p0 $0x0, s1;
	[sflag:s0] =	ssyncset.done @!p0 $0x0  }
0x186: {  	[sflag:s0] =	ssyncadd.s32 @!p0 s1  }
0x187: {  	[bflag:$0x3] =	sbarrier.arrive $0xFFFF  }
0x188: {  	_ =	shalt  }

</sc_bundles>
